<compile_context>
chip_gen: v7x
topology: tpu7x:2x2x1
jax: 0.10.2.dev20260603
libtpu: 0.0.44.dev20260713+nightly
codegen_flags: <defaults>
</compile_context>

<pallas_src>
import functools

import jax
import jax.numpy as jnp
from jax import lax
from jax.experimental import pallas as pl
from jax.experimental.pallas import tpu as pltpu
from jax.experimental.pallas import tpu_sc as plsc

NUM_CORES = 2
NUM_SUBCORES = 16
NUM_WORKERS = NUM_CORES * NUM_SUBCORES
CHUNK = 32
NBUF = 6


def _gather_fn(B, D):
    bpw = B // NUM_WORKERS
    nchunks = bpw // CHUNK
    mesh = plsc.VectorSubcoreMesh(core_axis_name="c", subcore_axis_name="s")

    @functools.partial(
        pl.kernel,
        out_type=jax.ShapeDtypeStruct((B, D), jnp.float32),
        mesh=mesh,
        scratch_types=[
            pltpu.VMEM((bpw,), jnp.int32),
            [pltpu.VMEM((CHUNK, D), jnp.float32) for _ in range(NBUF)],
            [pltpu.SemaphoreType.DMA for _ in range(NBUF)],
            [pltpu.SemaphoreType.DMA for _ in range(NBUF)],
            pltpu.SemaphoreType.DMA,
        ],
    )
    def gather_kernel(idx_hbm, table_hbm, out_hbm, idx_v, bufs, gsems, osems,
                      isem):
        wid = lax.axis_index("s") * NUM_CORES + lax.axis_index("c")
        base = wid * bpw
        head = NBUF * CHUNK
        pltpu.sync_copy(idx_hbm.at[pl.ds(base, head)], idx_v.at[pl.ds(0, head)])
        tail = pltpu.make_async_copy(
            idx_hbm.at[pl.ds(base + head, bpw - head)],
            idx_v.at[pl.ds(head, bpw - head)], isem,
        )
        tail.start()

        def g_copy(k, j):
            return pltpu.make_async_copy(
                table_hbm.at[idx_v.at[pl.ds(k * CHUNK, CHUNK)]],
                bufs[j], gsems[j],
            )

        def w_copy(k, j):
            return pltpu.make_async_copy(
                bufs[j], out_hbm.at[pl.ds(base + k * CHUNK, CHUNK)], osems[j]
            )

        for j in range(NBUF):
            g_copy(j, j).start()
        tail.wait()

        def step(k, j):
            g_copy(k, j).wait()
            w_copy(k, j).start()
            w_copy(k, j).wait()
            g_copy(k + NBUF, j).start()

        full_rounds = (nchunks - NBUF) // NBUF
        rem = (nchunks - NBUF) % NBUF

        def round_body(p, carry):
            for j in range(NBUF):
                step(p * NBUF + j, j)
            return carry

        lax.fori_loop(0, full_rounds, round_body, 0)

        for t in range(rem):
            k = full_rounds * NBUF + t
            step(k, k % NBUF)
        for t in range(NBUF):
            k = nchunks - NBUF + t
            g_copy(k, k % NBUF).wait()
            w_copy(k, k % NBUF).start()
        for t in range(NBUF):
            k = nchunks - NBUF + t
            w_copy(k, k % NBUF).wait()

    return gather_kernel


@jax.jit
def kernel(indices, table):
    B = indices.size
    V, D = table.shape
    idx_flat = indices.reshape(B).astype(jnp.int32)
    out = _gather_fn(B, D)(idx_flat, table)
    return out.reshape(indices.shape + (D,))

# --- scband reference (transcript-rebuilt; emitter-appended) ---
"""Pipeline reference for scband-mock-vqgan-49374944035350 (READ-ONLY COPY).

The authoritative reference and input builder live on the scoring server;
editing this copy changes nothing except your own understanding.
"""

import jax, jax.numpy as jnp
import numpy as np

NUM_EMBEDDINGS = 16384
EMBEDDING_DIM = 512

def _make_table():
    # Matches torch init: row i = ones(dim) * (i / num_embeddings) + 0.1
    i = jnp.arange(NUM_EMBEDDINGS, dtype=jnp.float32)
    return (i / NUM_EMBEDDINGS + 0.1)[:, None] * jnp.ones((1, EMBEDDING_DIM), dtype=jnp.float32)

def setup_inputs(seed: int = 0) -> dict:
    key = jax.random.key(seed)
    indices = jax.random.randint(key, (64, 32, 32), 0, NUM_EMBEDDINGS, dtype=jnp.int64 if jax.config.jax_enable_x64 else jnp.int32)
    table = _make_table()
    return {"indices": indices, "table": table}

def reference(indices, table):
    # decode's deterministic core: codebook embedding lookup
    embeddings = jnp.take(table, indices, axis=0)
    return embeddings

if __name__ == "__main__":
    import jax
    _d = setup_inputs()
    print(jax.jit(kernel)(*tuple(_d.values())))

</pallas_src>

<mosaic_0001>
#map = affine_map<(d0, d1) -> (0)>
#map1 = affine_map<(d0, d1) -> (0, 0)>
module attributes {stable_mosaic.version = 14 : i64} {
  func.func @gather_kernel(%arg0: i32, %arg1: i32, %arg2: memref<65536xi32, #tpu.memory_space<hbm>>, %arg3: memref<16384x512xf32, #tpu.memory_space<hbm>>, %arg4: memref<65536x512xf32, #tpu.memory_space<hbm>>, %arg5: memref<2048xi32, #tpu.memory_space<vmem>>, %arg6: memref<32x512xf32, #tpu.memory_space<vmem>>, %arg7: memref<32x512xf32, #tpu.memory_space<vmem>>, %arg8: memref<32x512xf32, #tpu.memory_space<vmem>>, %arg9: memref<32x512xf32, #tpu.memory_space<vmem>>, %arg10: memref<32x512xf32, #tpu.memory_space<vmem>>, %arg11: memref<32x512xf32, #tpu.memory_space<vmem>>, %arg12: memref<!tpu.dma_semaphore, #tpu.memory_space<semaphore_mem>>, %arg13: memref<!tpu.dma_semaphore, #tpu.memory_space<semaphore_mem>>, %arg14: memref<!tpu.dma_semaphore, #tpu.memory_space<semaphore_mem>>, %arg15: memref<!tpu.dma_semaphore, #tpu.memory_space<semaphore_mem>>, %arg16: memref<!tpu.dma_semaphore, #tpu.memory_space<semaphore_mem>>, %arg17: memref<!tpu.dma_semaphore, #tpu.memory_space<semaphore_mem>>, %arg18: memref<!tpu.dma_semaphore, #tpu.memory_space<semaphore_mem>>, %arg19: memref<!tpu.dma_semaphore, #tpu.memory_space<semaphore_mem>>, %arg20: memref<!tpu.dma_semaphore, #tpu.memory_space<semaphore_mem>>, %arg21: memref<!tpu.dma_semaphore, #tpu.memory_space<semaphore_mem>>, %arg22: memref<!tpu.dma_semaphore, #tpu.memory_space<semaphore_mem>>, %arg23: memref<!tpu.dma_semaphore, #tpu.memory_space<semaphore_mem>>, %arg24: memref<!tpu.dma_semaphore, #tpu.memory_space<semaphore_mem>>) attributes {dimension_semantics = [#tpu.dimension_semantics<core_parallel>, #tpu.dimension_semantics<subcore_parallel>], iteration_bounds = array<i64: 2, 16>, scalar_prefetch = 0 : i64, scratch_operands = 20 : i64, tpu.core_type = #tpu.core_type<sc_vector_subcore>, window_params = [{transform_indices = #map}, {transform_indices = #map1}, {transform_indices = #map1}]} {
    %mul3A = arith.constant 2 : i32
    %mul3A_0 = arith.muli %arg1, %mul3A : i32
    %add3A = arith.addi %mul3A_0, %arg0 : i32
    %mul3A_1 = arith.constant 2048 : i32
    %mul3A_2 = arith.muli %add3A, %mul3A_1 : i32
    "tpu.region"() ({
      %run_scoped3A = tpu.sem_alloc : memref<!tpu.dma_semaphore, #tpu.memory_space<semaphore_mem>>
      %dma_start3A_240 = arith.constant 0 : i32
      %dma_start3A_241 = tpu.memref_slice %arg5[%dma_start3A_240] : memref<2048xi32, #tpu.memory_space<vmem>> -> memref<192xi32, #tpu.memory_space<vmem>>
      %dma_start3A_242 = tpu.memref_slice %arg2[%mul3A_2] : memref<65536xi32, #tpu.memory_space<hbm>> -> memref<192xi32, #tpu.memory_space<hbm>>
      %dma_start3A_243 = arith.constant 0 : i32
      %dma_start3A_244 = tpu.memref_slice %arg5[%dma_start3A_243] : memref<2048xi32, #tpu.memory_space<vmem>> -> memref<192xi32, #tpu.memory_space<vmem>>
      %dma_start3A_245 = tpu.memref_slice %arg2[%mul3A_2] : memref<65536xi32, #tpu.memory_space<hbm>> -> memref<192xi32, #tpu.memory_space<hbm>>
      tpu.enqueue_dma source(%dma_start3A_245 : memref<192xi32, #tpu.memory_space<hbm>>) target(%dma_start3A_244 : memref<192xi32, #tpu.memory_space<vmem>>) target_semaphore(%run_scoped3A : memref<!tpu.dma_semaphore, #tpu.memory_space<semaphore_mem>>)
      %dma_wait3A_246 = arith.constant 0 : i32
      %dma_wait3A_247 = tpu.memref_slice %arg5[%dma_wait3A_246] : memref<2048xi32, #tpu.memory_space<vmem>> -> memref<192xi32, #tpu.memory_space<vmem>>
      %dma_wait3A_248 = tpu.memref_slice %arg2[%mul3A_2] : memref<65536xi32, #tpu.memory_space<hbm>> -> memref<192xi32, #tpu.memory_space<hbm>>
      %dma_wait3A_249 = arith.constant 0 : i32
      %dma_wait3A_250 = tpu.memref_slice %arg5[%dma_wait3A_249] : memref<2048xi32, #tpu.memory_space<vmem>> -> memref<192xi32, #tpu.memory_space<vmem>>
      %dma_wait3A_251 = tpu.memref_slice %arg2[%mul3A_2] : memref<65536xi32, #tpu.memory_space<hbm>> -> memref<192xi32, #tpu.memory_space<hbm>>
      tpu.wait_dma2 semaphore(%run_scoped3A : memref<!tpu.dma_semaphore, #tpu.memory_space<semaphore_mem>>) src(%dma_wait3A_251 : memref<192xi32, #tpu.memory_space<hbm>>) dst(%dma_wait3A_250 : memref<192xi32, #tpu.memory_space<vmem>>)
      tpu.yield
    }) : () -> ()
    %add3A_3 = arith.constant 192 : i32
    %add3A_4 = arith.addi %mul3A_2, %add3A_3 : i32
    %dma_start3A = arith.constant 192 : i32
    %dma_start3A_5 = tpu.memref_slice %arg5[%dma_start3A] : memref<2048xi32, #tpu.memory_space<vmem>> -> memref<1856xi32, #tpu.memory_space<vmem>>
    %dma_start3A_6 = tpu.memref_slice %arg2[%add3A_4] : memref<65536xi32, #tpu.memory_space<hbm>> -> memref<1856xi32, #tpu.memory_space<hbm>>
    %dma_start3A_7 = arith.constant 192 : i32
    %dma_start3A_8 = tpu.memref_slice %arg5[%dma_start3A_7] : memref<2048xi32, #tpu.memory_space<vmem>> -> memref<1856xi32, #tpu.memory_space<vmem>>
    %dma_start3A_9 = tpu.memref_slice %arg2[%add3A_4] : memref<65536xi32, #tpu.memory_space<hbm>> -> memref<1856xi32, #tpu.memory_space<hbm>>
    tpu.enqueue_dma source(%dma_start3A_9 : memref<1856xi32, #tpu.memory_space<hbm>>) target(%dma_start3A_8 : memref<1856xi32, #tpu.memory_space<vmem>>) target_semaphore(%arg24 : memref<!tpu.dma_semaphore, #tpu.memory_space<semaphore_mem>>)
    %dma_start3A_10 = arith.constant 0 : i32
    %dma_start3A_11 = tpu.memref_slice %arg5[%dma_start3A_10] : memref<2048xi32, #tpu.memory_space<vmem>> -> memref<32xi32, #tpu.memory_space<vmem>>
    %dma_start3A_12 = arith.constant 0 : i32
    %dma_start3A_13 = arith.constant 0 : i32
    %dma_start3A_14 = tpu.memref_slice %arg3[%dma_start3A_12, %dma_start3A_13] : memref<16384x512xf32, #tpu.memory_space<hbm>> -> memref<16384x512xf32, #tpu.memory_space<hbm>>
    tpu.enqueue_indirect_dma source(%dma_start3A_14 : memref<16384x512xf32, #tpu.memory_space<hbm>>) target(%arg6 : memref<32x512xf32, #tpu.memory_space<vmem>>) offsets(%dma_start3A_11 : memref<32xi32, #tpu.memory_space<vmem>>) semaphore(%arg12 : memref<!tpu.dma_semaphore, #tpu.memory_space<semaphore_mem>>)
    %dma_start3A_15 = arith.constant 32 : i32
    %dma_start3A_16 = tpu.memref_slice %arg5[%dma_start3A_15] : memref<2048xi32, #tpu.memory_space<vmem>> -> memref<32xi32, #tpu.memory_space<vmem>>
    %dma_start3A_17 = arith.constant 0 : i32
    %dma_start3A_18 = arith.constant 0 : i32
    %dma_start3A_19 = tpu.memref_slice %arg3[%dma_start3A_17, %dma_start3A_18] : memref<16384x512xf32, #tpu.memory_space<hbm>> -> memref<16384x512xf32, #tpu.memory_space<hbm>>
    tpu.enqueue_indirect_dma source(%dma_start3A_19 : memref<16384x512xf32, #tpu.memory_space<hbm>>) target(%arg7 : memref<32x512xf32, #tpu.memory_space<vmem>>) offsets(%dma_start3A_16 : memref<32xi32, #tpu.memory_space<vmem>>) semaphore(%arg13 : memref<!tpu.dma_semaphore, #tpu.memory_space<semaphore_mem>>)
    %dma_start3A_20 = arith.constant 64 : i32
    %dma_start3A_21 = tpu.memref_slice %arg5[%dma_start3A_20] : memref<2048xi32, #tpu.memory_space<vmem>> -> memref<32xi32, #tpu.memory_space<vmem>>
    %dma_start3A_22 = arith.constant 0 : i32
    %dma_start3A_23 = arith.constant 0 : i32
    %dma_start3A_24 = tpu.memref_slice %arg3[%dma_start3A_22, %dma_start3A_23] : memref<16384x512xf32, #tpu.memory_space<hbm>> -> memref<16384x512xf32, #tpu.memory_space<hbm>>
    tpu.enqueue_indirect_dma source(%dma_start3A_24 : memref<16384x512xf32, #tpu.memory_space<hbm>>) target(%arg8 : memref<32x512xf32, #tpu.memory_space<vmem>>) offsets(%dma_start3A_21 : memref<32xi32, #tpu.memory_space<vmem>>) semaphore(%arg14 : memref<!tpu.dma_semaphore, #tpu.memory_space<semaphore_mem>>)
    %dma_start3A_25 = arith.constant 96 : i32
    %dma_start3A_26 = tpu.memref_slice %arg5[%dma_start3A_25] : memref<2048xi32, #tpu.memory_space<vmem>> -> memref<32xi32, #tpu.memory_space<vmem>>
    %dma_start3A_27 = arith.constant 0 : i32
    %dma_start3A_28 = arith.constant 0 : i32
    %dma_start3A_29 = tpu.memref_slice %arg3[%dma_start3A_27, %dma_start3A_28] : memref<16384x512xf32, #tpu.memory_space<hbm>> -> memref<16384x512xf32, #tpu.memory_space<hbm>>
    tpu.enqueue_indirect_dma source(%dma_start3A_29 : memref<16384x512xf32, #tpu.memory_space<hbm>>) target(%arg9 : memref<32x512xf32, #tpu.memory_space<vmem>>) offsets(%dma_start3A_26 : memref<32xi32, #tpu.memory_space<vmem>>) semaphore(%arg15 : memref<!tpu.dma_semaphore, #tpu.memory_space<semaphore_mem>>)
    %dma_start3A_30 = arith.constant 128 : i32
    %dma_start3A_31 = tpu.memref_slice %arg5[%dma_start3A_30] : memref<2048xi32, #tpu.memory_space<vmem>> -> memref<32xi32, #tpu.memory_space<vmem>>
    %dma_start3A_32 = arith.constant 0 : i32
    %dma_start3A_33 = arith.constant 0 : i32
    %dma_start3A_34 = tpu.memref_slice %arg3[%dma_start3A_32, %dma_start3A_33] : memref<16384x512xf32, #tpu.memory_space<hbm>> -> memref<16384x512xf32, #tpu.memory_space<hbm>>
    tpu.enqueue_indirect_dma source(%dma_start3A_34 : memref<16384x512xf32, #tpu.memory_space<hbm>>) target(%arg10 : memref<32x512xf32, #tpu.memory_space<vmem>>) offsets(%dma_start3A_31 : memref<32xi32, #tpu.memory_space<vmem>>) semaphore(%arg16 : memref<!tpu.dma_semaphore, #tpu.memory_space<semaphore_mem>>)
    %dma_start3A_35 = arith.constant 160 : i32
    %dma_start3A_36 = tpu.memref_slice %arg5[%dma_start3A_35] : memref<2048xi32, #tpu.memory_space<vmem>> -> memref<32xi32, #tpu.memory_space<vmem>>
    %dma_start3A_37 = arith.constant 0 : i32
    %dma_start3A_38 = arith.constant 0 : i32
    %dma_start3A_39 = tpu.memref_slice %arg3[%dma_start3A_37, %dma_start3A_38] : memref<16384x512xf32, #tpu.memory_space<hbm>> -> memref<16384x512xf32, #tpu.memory_space<hbm>>
    tpu.enqueue_indirect_dma source(%dma_start3A_39 : memref<16384x512xf32, #tpu.memory_space<hbm>>) target(%arg11 : memref<32x512xf32, #tpu.memory_space<vmem>>) offsets(%dma_start3A_36 : memref<32xi32, #tpu.memory_space<vmem>>) semaphore(%arg17 : memref<!tpu.dma_semaphore, #tpu.memory_space<semaphore_mem>>)
    %dma_wait3A = arith.constant 192 : i32
    %dma_wait3A_40 = tpu.memref_slice %arg5[%dma_wait3A] : memref<2048xi32, #tpu.memory_space<vmem>> -> memref<1856xi32, #tpu.memory_space<vmem>>
    %dma_wait3A_41 = tpu.memref_slice %arg2[%add3A_4] : memref<65536xi32, #tpu.memory_space<hbm>> -> memref<1856xi32, #tpu.memory_space<hbm>>
    %dma_wait3A_42 = arith.constant 192 : i32
    %dma_wait3A_43 = tpu.memref_slice %arg5[%dma_wait3A_42] : memref<2048xi32, #tpu.memory_space<vmem>> -> memref<1856xi32, #tpu.memory_space<vmem>>
    %dma_wait3A_44 = tpu.memref_slice %arg2[%add3A_4] : memref<65536xi32, #tpu.memory_space<hbm>> -> memref<1856xi32, #tpu.memory_space<hbm>>
    tpu.wait_dma2 semaphore(%arg24 : memref<!tpu.dma_semaphore, #tpu.memory_space<semaphore_mem>>) src(%dma_wait3A_44 : memref<1856xi32, #tpu.memory_space<hbm>>) dst(%dma_wait3A_43 : memref<1856xi32, #tpu.memory_space<vmem>>)
    %scan3A = arith.constant 0 : i32
    %scan3A_45 = arith.constant 0 : i32
    %scan3A_46 = arith.constant 9 : i32
    %scan3A_47 = arith.addi %scan3A_45, %scan3A_46 : i32
    %scan3A_48 = arith.constant 1 : i32
    scf.for %scan3A_240 = %scan3A_45 to %scan3A_47 step %scan3A_48  : i32 {
      %mul3A_241 = arith.constant 6 : i32
      %mul3A_242 = arith.muli %scan3A_240, %mul3A_241 : i32
      %add3A_243 = arith.constant 0 : i32
      %add3A_244 = arith.addi %mul3A_242, %add3A_243 : i32
      %mul3A_245 = arith.constant 32 : i32
      %mul3A_246 = arith.muli %add3A_244, %mul3A_245 : i32
      %dma_wait3A_247 = tpu.memref_slice %arg5[%mul3A_246] : memref<2048xi32, #tpu.memory_space<vmem>> -> memref<32xi32, #tpu.memory_space<vmem>>
      %dma_wait3A_248 = arith.constant 0 : i32
      %dma_wait3A_249 = arith.constant 0 : i32
      %dma_wait3A_250 = tpu.memref_slice %arg3[%dma_wait3A_248, %dma_wait3A_249] : memref<16384x512xf32, #tpu.memory_space<hbm>> -> memref<16384x512xf32, #tpu.memory_space<hbm>>
      tpu.wait_indirect_dma semaphore(%arg12 : memref<!tpu.dma_semaphore, #tpu.memory_space<semaphore_mem>>) src(%dma_wait3A_250 : memref<16384x512xf32, #tpu.memory_space<hbm>>) dst(%arg6 : memref<32x512xf32, #tpu.memory_space<vmem>>)
      %mul3A_251 = arith.constant 32 : i32
      %mul3A_252 = arith.muli %add3A_244, %mul3A_251 : i32
      %add3A_253 = arith.addi %mul3A_2, %mul3A_252 : i32
      %dma_start3A_254 = arith.constant 0 : i32
      %dma_start3A_255 = tpu.memref_slice %arg4[%add3A_253, %dma_start3A_254] : memref<65536x512xf32, #tpu.memory_space<hbm>> -> memref<32x512xf32, #tpu.memory_space<hbm>>
      %dma_start3A_256 = arith.constant 0 : i32
      %dma_start3A_257 = tpu.memref_slice %arg4[%add3A_253, %dma_start3A_256] : memref<65536x512xf32, #tpu.memory_space<hbm>> -> memref<32x512xf32, #tpu.memory_space<hbm>>
      tpu.enqueue_dma source(%arg6 : memref<32x512xf32, #tpu.memory_space<vmem>>) target(%dma_start3A_257 : memref<32x512xf32, #tpu.memory_space<hbm>>) target_semaphore(%arg18 : memref<!tpu.dma_semaphore, #tpu.memory_space<semaphore_mem>>)
      %mul3A_258 = arith.constant 32 : i32
      %mul3A_259 = arith.muli %add3A_244, %mul3A_258 : i32
      %add3A_260 = arith.addi %mul3A_2, %mul3A_259 : i32
      %dma_wait3A_261 = arith.constant 0 : i32
      %dma_wait3A_262 = tpu.memref_slice %arg4[%add3A_260, %dma_wait3A_261] : memref<65536x512xf32, #tpu.memory_space<hbm>> -> memref<32x512xf32, #tpu.memory_space<hbm>>
      %dma_wait3A_263 = arith.constant 0 : i32
      %dma_wait3A_264 = tpu.memref_slice %arg4[%add3A_260, %dma_wait3A_263] : memref<65536x512xf32, #tpu.memory_space<hbm>> -> memref<32x512xf32, #tpu.memory_space<hbm>>
      tpu.wait_dma2 semaphore(%arg18 : memref<!tpu.dma_semaphore, #tpu.memory_space<semaphore_mem>>) src(%arg6 : memref<32x512xf32, #tpu.memory_space<vmem>>) dst(%dma_wait3A_264 : memref<32x512xf32, #tpu.memory_space<hbm>>)
      %add3A_265 = arith.constant 6 : i32
      %add3A_266 = arith.addi %add3A_244, %add3A_265 : i32
      %mul3A_267 = arith.constant 32 : i32
      %mul3A_268 = arith.muli %add3A_266, %mul3A_267 : i32
      %dma_start3A_269 = tpu.memref_slice %arg5[%mul3A_268] : memref<2048xi32, #tpu.memory_space<vmem>> -> memref<32xi32, #tpu.memory_space<vmem>>
      %dma_start3A_270 = arith.constant 0 : i32
      %dma_start3A_271 = arith.constant 0 : i32
      %dma_start3A_272 = tpu.memref_slice %arg3[%dma_start3A_270, %dma_start3A_271] : memref<16384x512xf32, #tpu.memory_space<hbm>> -> memref<16384x512xf32, #tpu.memory_space<hbm>>
      tpu.enqueue_indirect_dma source(%dma_start3A_272 : memref<16384x512xf32, #tpu.memory_space<hbm>>) target(%arg6 : memref<32x512xf32, #tpu.memory_space<vmem>>) offsets(%dma_start3A_269 : memref<32xi32, #tpu.memory_space<vmem>>) semaphore(%arg12 : memref<!tpu.dma_semaphore, #tpu.memory_space<semaphore_mem>>)
      %mul3A_273 = arith.constant 6 : i32
      %mul3A_274 = arith.muli %scan3A_240, %mul3A_273 : i32
      %add3A_275 = arith.constant 1 : i32
      %add3A_276 = arith.addi %mul3A_274, %add3A_275 : i32
      %mul3A_277 = arith.constant 32 : i32
      %mul3A_278 = arith.muli %add3A_276, %mul3A_277 : i32
      %dma_wait3A_279 = tpu.memref_slice %arg5[%mul3A_278] : memref<2048xi32, #tpu.memory_space<vmem>> -> memref<32xi32, #tpu.memory_space<vmem>>
      %dma_wait3A_280 = arith.constant 0 : i32
      %dma_wait3A_281 = arith.constant 0 : i32
      %dma_wait3A_282 = tpu.memref_slice %arg3[%dma_wait3A_280, %dma_wait3A_281] : memref<16384x512xf32, #tpu.memory_space<hbm>> -> memref<16384x512xf32, #tpu.memory_space<hbm>>
      tpu.wait_indirect_dma semaphore(%arg13 : memref<!tpu.dma_semaphore, #tpu.memory_space<semaphore_mem>>) src(%dma_wait3A_282 : memref<16384x512xf32, #tpu.memory_space<hbm>>) dst(%arg7 : memref<32x512xf32, #tpu.memory_space<vmem>>)
      %mul3A_283 = arith.constant 32 : i32
      %mul3A_284 = arith.muli %add3A_276, %mul3A_283 : i32
      %add3A_285 = arith.addi %mul3A_2, %mul3A_284 : i32
      %dma_start3A_286 = arith.constant 0 : i32
      %dma_start3A_287 = tpu.memref_slice %arg4[%add3A_285, %dma_start3A_286] : memref<65536x512xf32, #tpu.memory_space<hbm>> -> memref<32x512xf32, #tpu.memory_space<hbm>>
      %dma_start3A_288 = arith.constant 0 : i32
      %dma_start3A_289 = tpu.memref_slice %arg4[%add3A_285, %dma_start3A_288] : memref<65536x512xf32, #tpu.memory_space<hbm>> -> memref<32x512xf32, #tpu.memory_space<hbm>>
      tpu.enqueue_dma source(%arg7 : memref<32x512xf32, #tpu.memory_space<vmem>>) target(%dma_start3A_289 : memref<32x512xf32, #tpu.memory_space<hbm>>) target_semaphore(%arg19 : memref<!tpu.dma_semaphore, #tpu.memory_space<semaphore_mem>>)
      %mul3A_290 = arith.constant 32 : i32
      %mul3A_291 = arith.muli %add3A_276, %mul3A_290 : i32
      %add3A_292 = arith.addi %mul3A_2, %mul3A_291 : i32
      %dma_wait3A_293 = arith.constant 0 : i32
      %dma_wait3A_294 = tpu.memref_slice %arg4[%add3A_292, %dma_wait3A_293] : memref<65536x512xf32, #tpu.memory_space<hbm>> -> memref<32x512xf32, #tpu.memory_space<hbm>>
      %dma_wait3A_295 = arith.constant 0 : i32
      %dma_wait3A_296 = tpu.memref_slice %arg4[%add3A_292, %dma_wait3A_295] : memref<65536x512xf32, #tpu.memory_space<hbm>> -> memref<32x512xf32, #tpu.memory_space<hbm>>
      tpu.wait_dma2 semaphore(%arg19 : memref<!tpu.dma_semaphore, #tpu.memory_space<semaphore_mem>>) src(%arg7 : memref<32x512xf32, #tpu.memory_space<vmem>>) dst(%dma_wait3A_296 : memref<32x512xf32, #tpu.memory_space<hbm>>)
      %add3A_297 = arith.constant 6 : i32
      %add3A_298 = arith.addi %add3A_276, %add3A_297 : i32
      %mul3A_299 = arith.constant 32 : i32
      %mul3A_300 = arith.muli %add3A_298, %mul3A_299 : i32
      %dma_start3A_301 = tpu.memref_slice %arg5[%mul3A_300] : memref<2048xi32, #tpu.memory_space<vmem>> -> memref<32xi32, #tpu.memory_space<vmem>>
      %dma_start3A_302 = arith.constant 0 : i32
      %dma_start3A_303 = arith.constant 0 : i32
      %dma_start3A_304 = tpu.memref_slice %arg3[%dma_start3A_302, %dma_start3A_303] : memref<16384x512xf32, #tpu.memory_space<hbm>> -> memref<16384x512xf32, #tpu.memory_space<hbm>>
      tpu.enqueue_indirect_dma source(%dma_start3A_304 : memref<16384x512xf32, #tpu.memory_space<hbm>>) target(%arg7 : memref<32x512xf32, #tpu.memory_space<vmem>>) offsets(%dma_start3A_301 : memref<32xi32, #tpu.memory_space<vmem>>) semaphore(%arg13 : memref<!tpu.dma_semaphore, #tpu.memory_space<semaphore_mem>>)
      %mul3A_305 = arith.constant 6 : i32
      %mul3A_306 = arith.muli %scan3A_240, %mul3A_305 : i32
      %add3A_307 = arith.constant 2 : i32
      %add3A_308 = arith.addi %mul3A_306, %add3A_307 : i32
      %mul3A_309 = arith.constant 32 : i32
      %mul3A_310 = arith.muli %add3A_308, %mul3A_309 : i32
      %dma_wait3A_311 = tpu.memref_slice %arg5[%mul3A_310] : memref<2048xi32, #tpu.memory_space<vmem>> -> memref<32xi32, #tpu.memory_space<vmem>>
      %dma_wait3A_312 = arith.constant 0 : i32
      %dma_wait3A_313 = arith.constant 0 : i32
      %dma_wait3A_314 = tpu.memref_slice %arg3[%dma_wait3A_312, %dma_wait3A_313] : memref<16384x512xf32, #tpu.memory_space<hbm>> -> memref<16384x512xf32, #tpu.memory_space<hbm>>
      tpu.wait_indirect_dma semaphore(%arg14 : memref<!tpu.dma_semaphore, #tpu.memory_space<semaphore_mem>>) src(%dma_wait3A_314 : memref<16384x512xf32, #tpu.memory_space<hbm>>) dst(%arg8 : memref<32x512xf32, #tpu.memory_space<vmem>>)
      %mul3A_315 = arith.constant 32 : i32
      %mul3A_316 = arith.muli %add3A_308, %mul3A_315 : i32
      %add3A_317 = arith.addi %mul3A_2, %mul3A_316 : i32
      %dma_start3A_318 = arith.constant 0 : i32
      %dma_start3A_319 = tpu.memref_slice %arg4[%add3A_317, %dma_start3A_318] : memref<65536x512xf32, #tpu.memory_space<hbm>> -> memref<32x512xf32, #tpu.memory_space<hbm>>
      %dma_start3A_320 = arith.constant 0 : i32
      %dma_start3A_321 = tpu.memref_slice %arg4[%add3A_317, %dma_start3A_320] : memref<65536x512xf32, #tpu.memory_space<hbm>> -> memref<32x512xf32, #tpu.memory_space<hbm>>
      tpu.enqueue_dma source(%arg8 : memref<32x512xf32, #tpu.memory_space<vmem>>) target(%dma_start3A_321 : memref<32x512xf32, #tpu.memory_space<hbm>>) target_semaphore(%arg20 : memref<!tpu.dma_semaphore, #tpu.memory_space<semaphore_mem>>)
      %mul3A_322 = arith.constant 32 : i32
      %mul3A_323 = arith.muli %add3A_308, %mul3A_322 : i32
      %add3A_324 = arith.addi %mul3A_2, %mul3A_323 : i32
      %dma_wait3A_325 = arith.constant 0 : i32
      %dma_wait3A_326 = tpu.memref_slice %arg4[%add3A_324, %dma_wait3A_325] : memref<65536x512xf32, #tpu.memory_space<hbm>> -> memref<32x512xf32, #tpu.memory_space<hbm>>
      %dma_wait3A_327 = arith.constant 0 : i32
      %dma_wait3A_328 = tpu.memref_slice %arg4[%add3A_324, %dma_wait3A_327] : memref<65536x512xf32, #tpu.memory_space<hbm>> -> memref<32x512xf32, #tpu.memory_space<hbm>>
      tpu.wait_dma2 semaphore(%arg20 : memref<!tpu.dma_semaphore, #tpu.memory_space<semaphore_mem>>) src(%arg8 : memref<32x512xf32, #tpu.memory_space<vmem>>) dst(%dma_wait3A_328 : memref<32x512xf32, #tpu.memory_space<hbm>>)
      %add3A_329 = arith.constant 6 : i32
      %add3A_330 = arith.addi %add3A_308, %add3A_329 : i32
      %mul3A_331 = arith.constant 32 : i32
      %mul3A_332 = arith.muli %add3A_330, %mul3A_331 : i32
      %dma_start3A_333 = tpu.memref_slice %arg5[%mul3A_332] : memref<2048xi32, #tpu.memory_space<vmem>> -> memref<32xi32, #tpu.memory_space<vmem>>
      %dma_start3A_334 = arith.constant 0 : i32
      %dma_start3A_335 = arith.constant 0 : i32
      %dma_start3A_336 = tpu.memref_slice %arg3[%dma_start3A_334, %dma_start3A_335] : memref<16384x512xf32, #tpu.memory_space<hbm>> -> memref<16384x512xf32, #tpu.memory_space<hbm>>
      tpu.enqueue_indirect_dma source(%dma_start3A_336 : memref<16384x512xf32, #tpu.memory_space<hbm>>) target(%arg8 : memref<32x512xf32, #tpu.memory_space<vmem>>) offsets(%dma_start3A_333 : memref<32xi32, #tpu.memory_space<vmem>>) semaphore(%arg14 : memref<!tpu.dma_semaphore, #tpu.memory_space<semaphore_mem>>)
      %mul3A_337 = arith.constant 6 : i32
      %mul3A_338 = arith.muli %scan3A_240, %mul3A_337 : i32
      %add3A_339 = arith.constant 3 : i32
      %add3A_340 = arith.addi %mul3A_338, %add3A_339 : i32
      %mul3A_341 = arith.constant 32 : i32
      %mul3A_342 = arith.muli %add3A_340, %mul3A_341 : i32
      %dma_wait3A_343 = tpu.memref_slice %arg5[%mul3A_342] : memref<2048xi32, #tpu.memory_space<vmem>> -> memref<32xi32, #tpu.memory_space<vmem>>
      %dma_wait3A_344 = arith.constant 0 : i32
      %dma_wait3A_345 = arith.constant 0 : i32
      %dma_wait3A_346 = tpu.memref_slice %arg3[%dma_wait3A_344, %dma_wait3A_345] : memref<16384x512xf32, #tpu.memory_space<hbm>> -> memref<16384x512xf32, #tpu.memory_space<hbm>>
      tpu.wait_indirect_dma semaphore(%arg15 : memref<!tpu.dma_semaphore, #tpu.memory_space<semaphore_mem>>) src(%dma_wait3A_346 : memref<16384x512xf32, #tpu.memory_space<hbm>>) dst(%arg9 : memref<32x512xf32, #tpu.memory_space<vmem>>)
      %mul3A_347 = arith.constant 32 : i32
      %mul3A_348 = arith.muli %add3A_340, %mul3A_347 : i32
      %add3A_349 = arith.addi %mul3A_2, %mul3A_348 : i32
      %dma_start3A_350 = arith.constant 0 : i32
      %dma_start3A_351 = tpu.memref_slice %arg4[%add3A_349, %dma_start3A_350] : memref<65536x512xf32, #tpu.memory_space<hbm>> -> memref<32x512xf32, #tpu.memory_space<hbm>>
      %dma_start3A_352 = arith.constant 0 : i32
      %dma_start3A_353 = tpu.memref_slice %arg4[%add3A_349, %dma_start3A_352] : memref<65536x512xf32, #tpu.memory_space<hbm>> -> memref<32x512xf32, #tpu.memory_space<hbm>>
      tpu.enqueue_dma source(%arg9 : memref<32x512xf32, #tpu.memory_space<vmem>>) target(%dma_start3A_353 : memref<32x512xf32, #tpu.memory_space<hbm>>) target_semaphore(%arg21 : memref<!tpu.dma_semaphore, #tpu.memory_space<semaphore_mem>>)
      %mul3A_354 = arith.constant 32 : i32
      %mul3A_355 = arith.muli %add3A_340, %mul3A_354 : i32
      %add3A_356 = arith.addi %mul3A_2, %mul3A_355 : i32
      %dma_wait3A_357 = arith.constant 0 : i32
      %dma_wait3A_358 = tpu.memref_slice %arg4[%add3A_356, %dma_wait3A_357] : memref<65536x512xf32, #tpu.memory_space<hbm>> -> memref<32x512xf32, #tpu.memory_space<hbm>>
      %dma_wait3A_359 = arith.constant 0 : i32
      %dma_wait3A_360 = tpu.memref_slice %arg4[%add3A_356, %dma_wait3A_359] : memref<65536x512xf32, #tpu.memory_space<hbm>> -> memref<32x512xf32, #tpu.memory_space<hbm>>
      tpu.wait_dma2 semaphore(%arg21 : memref<!tpu.dma_semaphore, #tpu.memory_space<semaphore_mem>>) src(%arg9 : memref<32x512xf32, #tpu.memory_space<vmem>>) dst(%dma_wait3A_360 : memref<32x512xf32, #tpu.memory_space<hbm>>)
      %add3A_361 = arith.constant 6 : i32
      %add3A_362 = arith.addi %add3A_340, %add3A_361 : i32
      %mul3A_363 = arith.constant 32 : i32
      %mul3A_364 = arith.muli %add3A_362, %mul3A_363 : i32
      %dma_start3A_365 = tpu.memref_slice %arg5[%mul3A_364] : memref<2048xi32, #tpu.memory_space<vmem>> -> memref<32xi32, #tpu.memory_space<vmem>>
      %dma_start3A_366 = arith.constant 0 : i32
      %dma_start3A_367 = arith.constant 0 : i32
      %dma_start3A_368 = tpu.memref_slice %arg3[%dma_start3A_366, %dma_start3A_367] : memref<16384x512xf32, #tpu.memory_space<hbm>> -> memref<16384x512xf32, #tpu.memory_space<hbm>>
      tpu.enqueue_indirect_dma source(%dma_start3A_368 : memref<16384x512xf32, #tpu.memory_space<hbm>>) target(%arg9 : memref<32x512xf32, #tpu.memory_space<vmem>>) offsets(%dma_start3A_365 : memref<32xi32, #tpu.memory_space<vmem>>) semaphore(%arg15 : memref<!tpu.dma_semaphore, #tpu.memory_space<semaphore_mem>>)
      %mul3A_369 = arith.constant 6 : i32
      %mul3A_370 = arith.muli %scan3A_240, %mul3A_369 : i32
      %add3A_371 = arith.constant 4 : i32
      %add3A_372 = arith.addi %mul3A_370, %add3A_371 : i32
      %mul3A_373 = arith.constant 32 : i32
      %mul3A_374 = arith.muli %add3A_372, %mul3A_373 : i32
      %dma_wait3A_375 = tpu.memref_slice %arg5[%mul3A_374] : memref<2048xi32, #tpu.memory_space<vmem>> -> memref<32xi32, #tpu.memory_space<vmem>>
      %dma_wait3A_376 = arith.constant 0 : i32
      %dma_wait3A_377 = arith.constant 0 : i32
      %dma_wait3A_378 = tpu.memref_slice %arg3[%dma_wait3A_376, %dma_wait3A_377] : memref<16384x512xf32, #tpu.memory_space<hbm>> -> memref<16384x512xf32, #tpu.memory_space<hbm>>
      tpu.wait_indirect_dma semaphore(%arg16 : memref<!tpu.dma_semaphore, #tpu.memory_space<semaphore_mem>>) src(%dma_wait3A_378 : memref<16384x512xf32, #tpu.memory_space<hbm>>) dst(%arg10 : memref<32x512xf32, #tpu.memory_space<vmem>>)
      %mul3A_379 = arith.constant 32 : i32
      %mul3A_380 = arith.muli %add3A_372, %mul3A_379 : i32
      %add3A_381 = arith.addi %mul3A_2, %mul3A_380 : i32
      %dma_start3A_382 = arith.constant 0 : i32
      %dma_start3A_383 = tpu.memref_slice %arg4[%add3A_381, %dma_start3A_382] : memref<65536x512xf32, #tpu.memory_space<hbm>> -> memref<32x512xf32, #tpu.memory_space<hbm>>
      %dma_start3A_384 = arith.constant 0 : i32
      %dma_start3A_385 = tpu.memref_slice %arg4[%add3A_381, %dma_start3A_384] : memref<65536x512xf32, #tpu.memory_space<hbm>> -> memref<32x512xf32, #tpu.memory_space<hbm>>
      tpu.enqueue_dma source(%arg10 : memref<32x512xf32, #tpu.memory_space<vmem>>) target(%dma_start3A_385 : memref<32x512xf32, #tpu.memory_space<hbm>>) target_semaphore(%arg22 : memref<!tpu.dma_semaphore, #tpu.memory_space<semaphore_mem>>)
      %mul3A_386 = arith.constant 32 : i32
      %mul3A_387 = arith.muli %add3A_372, %mul3A_386 : i32
      %add3A_388 = arith.addi %mul3A_2, %mul3A_387 : i32
      %dma_wait3A_389 = arith.constant 0 : i32
      %dma_wait3A_390 = tpu.memref_slice %arg4[%add3A_388, %dma_wait3A_389] : memref<65536x512xf32, #tpu.memory_space<hbm>> -> memref<32x512xf32, #tpu.memory_space<hbm>>
      %dma_wait3A_391 = arith.constant 0 : i32
      %dma_wait3A_392 = tpu.memref_slice %arg4[%add3A_388, %dma_wait3A_391] : memref<65536x512xf32, #tpu.memory_space<hbm>> -> memref<32x512xf32, #tpu.memory_space<hbm>>
      tpu.wait_dma2 semaphore(%arg22 : memref<!tpu.dma_semaphore, #tpu.memory_space<semaphore_mem>>) src(%arg10 : memref<32x512xf32, #tpu.memory_space<vmem>>) dst(%dma_wait3A_392 : memref<32x512xf32, #tpu.memory_space<hbm>>)
      %add3A_393 = arith.constant 6 : i32
      %add3A_394 = arith.addi %add3A_372, %add3A_393 : i32
      %mul3A_395 = arith.constant 32 : i32
      %mul3A_396 = arith.muli %add3A_394, %mul3A_395 : i32
      %dma_start3A_397 = tpu.memref_slice %arg5[%mul3A_396] : memref<2048xi32, #tpu.memory_space<vmem>> -> memref<32xi32, #tpu.memory_space<vmem>>
      %dma_start3A_398 = arith.constant 0 : i32
      %dma_start3A_399 = arith.constant 0 : i32
      %dma_start3A_400 = tpu.memref_slice %arg3[%dma_start3A_398, %dma_start3A_399] : memref<16384x512xf32, #tpu.memory_space<hbm>> -> memref<16384x512xf32, #tpu.memory_space<hbm>>
      tpu.enqueue_indirect_dma source(%dma_start3A_400 : memref<16384x512xf32, #tpu.memory_space<hbm>>) target(%arg10 : memref<32x512xf32, #tpu.memory_space<vmem>>) offsets(%dma_start3A_397 : memref<32xi32, #tpu.memory_space<vmem>>) semaphore(%arg16 : memref<!tpu.dma_semaphore, #tpu.memory_space<semaphore_mem>>)
      %mul3A_401 = arith.constant 6 : i32
      %mul3A_402 = arith.muli %scan3A_240, %mul3A_401 : i32
      %add3A_403 = arith.constant 5 : i32
      %add3A_404 = arith.addi %mul3A_402, %add3A_403 : i32
      %mul3A_405 = arith.constant 32 : i32
      %mul3A_406 = arith.muli %add3A_404, %mul3A_405 : i32
      %dma_wait3A_407 = tpu.memref_slice %arg5[%mul3A_406] : memref<2048xi32, #tpu.memory_space<vmem>> -> memref<32xi32, #tpu.memory_space<vmem>>
      %dma_wait3A_408 = arith.constant 0 : i32
      %dma_wait3A_409 = arith.constant 0 : i32
      %dma_wait3A_410 = tpu.memref_slice %arg3[%dma_wait3A_408, %dma_wait3A_409] : memref<16384x512xf32, #tpu.memory_space<hbm>> -> memref<16384x512xf32, #tpu.memory_space<hbm>>
      tpu.wait_indirect_dma semaphore(%arg17 : memref<!tpu.dma_semaphore, #tpu.memory_space<semaphore_mem>>) src(%dma_wait3A_410 : memref<16384x512xf32, #tpu.memory_space<hbm>>) dst(%arg11 : memref<32x512xf32, #tpu.memory_space<vmem>>)
      %mul3A_411 = arith.constant 32 : i32
      %mul3A_412 = arith.muli %add3A_404, %mul3A_411 : i32
      %add3A_413 = arith.addi %mul3A_2, %mul3A_412 : i32
      %dma_start3A_414 = arith.constant 0 : i32
      %dma_start3A_415 = tpu.memref_slice %arg4[%add3A_413, %dma_start3A_414] : memref<65536x512xf32, #tpu.memory_space<hbm>> -> memref<32x512xf32, #tpu.memory_space<hbm>>
      %dma_start3A_416 = arith.constant 0 : i32
      %dma_start3A_417 = tpu.memref_slice %arg4[%add3A_413, %dma_start3A_416] : memref<65536x512xf32, #tpu.memory_space<hbm>> -> memref<32x512xf32, #tpu.memory_space<hbm>>
      tpu.enqueue_dma source(%arg11 : memref<32x512xf32, #tpu.memory_space<vmem>>) target(%dma_start3A_417 : memref<32x512xf32, #tpu.memory_space<hbm>>) target_semaphore(%arg23 : memref<!tpu.dma_semaphore, #tpu.memory_space<semaphore_mem>>)
      %mul3A_418 = arith.constant 32 : i32
      %mul3A_419 = arith.muli %add3A_404, %mul3A_418 : i32
      %add3A_420 = arith.addi %mul3A_2, %mul3A_419 : i32
      %dma_wait3A_421 = arith.constant 0 : i32
      %dma_wait3A_422 = tpu.memref_slice %arg4[%add3A_420, %dma_wait3A_421] : memref<65536x512xf32, #tpu.memory_space<hbm>> -> memref<32x512xf32, #tpu.memory_space<hbm>>
      %dma_wait3A_423 = arith.constant 0 : i32
      %dma_wait3A_424 = tpu.memref_slice %arg4[%add3A_420, %dma_wait3A_423] : memref<65536x512xf32, #tpu.memory_space<hbm>> -> memref<32x512xf32, #tpu.memory_space<hbm>>
      tpu.wait_dma2 semaphore(%arg23 : memref<!tpu.dma_semaphore, #tpu.memory_space<semaphore_mem>>) src(%arg11 : memref<32x512xf32, #tpu.memory_space<vmem>>) dst(%dma_wait3A_424 : memref<32x512xf32, #tpu.memory_space<hbm>>)
      %add3A_425 = arith.constant 6 : i32
      %add3A_426 = arith.addi %add3A_404, %add3A_425 : i32
      %mul3A_427 = arith.constant 32 : i32
      %mul3A_428 = arith.muli %add3A_426, %mul3A_427 : i32
      %dma_start3A_429 = tpu.memref_slice %arg5[%mul3A_428] : memref<2048xi32, #tpu.memory_space<vmem>> -> memref<32xi32, #tpu.memory_space<vmem>>
      %dma_start3A_430 = arith.constant 0 : i32
      %dma_start3A_431 = arith.constant 0 : i32
      %dma_start3A_432 = tpu.memref_slice %arg3[%dma_start3A_430, %dma_start3A_431] : memref<16384x512xf32, #tpu.memory_space<hbm>> -> memref<16384x512xf32, #tpu.memory_space<hbm>>
      tpu.enqueue_indirect_dma source(%dma_start3A_432 : memref<16384x512xf32, #tpu.memory_space<hbm>>) target(%arg11 : memref<32x512xf32, #tpu.memory_space<vmem>>) offsets(%dma_start3A_429 : memref<32xi32, #tpu.memory_space<vmem>>) semaphore(%arg17 : memref<!tpu.dma_semaphore, #tpu.memory_space<semaphore_mem>>)
    }
    %scan3A_49 = arith.constant 9 : i32
    %dma_wait3A_50 = arith.constant 1728 : i32
    %dma_wait3A_51 = tpu.memref_slice %arg5[%dma_wait3A_50] : memref<2048xi32, #tpu.memory_space<vmem>> -> memref<32xi32, #tpu.memory_space<vmem>>
    %dma_wait3A_52 = arith.constant 0 : i32
    %dma_wait3A_53 = arith.constant 0 : i32
    %dma_wait3A_54 = tpu.memref_slice %arg3[%dma_wait3A_52, %dma_wait3A_53] : memref<16384x512xf32, #tpu.memory_space<hbm>> -> memref<16384x512xf32, #tpu.memory_space<hbm>>
    tpu.wait_indirect_dma semaphore(%arg12 : memref<!tpu.dma_semaphore, #tpu.memory_space<semaphore_mem>>) src(%dma_wait3A_54 : memref<16384x512xf32, #tpu.memory_space<hbm>>) dst(%arg6 : memref<32x512xf32, #tpu.memory_space<vmem>>)
    %add3A_55 = arith.constant 1728 : i32
    %add3A_56 = arith.addi %mul3A_2, %add3A_55 : i32
    %dma_start3A_57 = arith.constant 0 : i32
    %dma_start3A_58 = tpu.memref_slice %arg4[%add3A_56, %dma_start3A_57] : memref<65536x512xf32, #tpu.memory_space<hbm>> -> memref<32x512xf32, #tpu.memory_space<hbm>>
    %dma_start3A_59 = arith.constant 0 : i32
    %dma_start3A_60 = tpu.memref_slice %arg4[%add3A_56, %dma_start3A_59] : memref<65536x512xf32, #tpu.memory_space<hbm>> -> memref<32x512xf32, #tpu.memory_space<hbm>>
    tpu.enqueue_dma source(%arg6 : memref<32x512xf32, #tpu.memory_space<vmem>>) target(%dma_start3A_60 : memref<32x512xf32, #tpu.memory_space<hbm>>) target_semaphore(%arg18 : memref<!tpu.dma_semaphore, #tpu.memory_space<semaphore_mem>>)
    %add3A_61 = arith.constant 1728 : i32
    %add3A_62 = arith.addi %mul3A_2, %add3A_61 : i32
    %dma_wait3A_63 = arith.constant 0 : i32
    %dma_wait3A_64 = tpu.memref_slice %arg4[%add3A_62, %dma_wait3A_63] : memref<65536x512xf32, #tpu.memory_space<hbm>> -> memref<32x512xf32, #tpu.memory_space<hbm>>
    %dma_wait3A_65 = arith.constant 0 : i32
    %dma_wait3A_66 = tpu.memref_slice %arg4[%add3A_62, %dma_wait3A_65] : memref<65536x512xf32, #tpu.memory_space<hbm>> -> memref<32x512xf32, #tpu.memory_space<hbm>>
    tpu.wait_dma2 semaphore(%arg18 : memref<!tpu.dma_semaphore, #tpu.memory_space<semaphore_mem>>) src(%arg6 : memref<32x512xf32, #tpu.memory_space<vmem>>) dst(%dma_wait3A_66 : memref<32x512xf32, #tpu.memory_space<hbm>>)
    %dma_start3A_67 = arith.constant 1920 : i32
    %dma_start3A_68 = tpu.memref_slice %arg5[%dma_start3A_67] : memref<2048xi32, #tpu.memory_space<vmem>> -> memref<32xi32, #tpu.memory_space<vmem>>
    %dma_start3A_69 = arith.constant 0 : i32
    %dma_start3A_70 = arith.constant 0 : i32
    %dma_start3A_71 = tpu.memref_slice %arg3[%dma_start3A_69, %dma_start3A_70] : memref<16384x512xf32, #tpu.memory_space<hbm>> -> memref<16384x512xf32, #tpu.memory_space<hbm>>
    tpu.enqueue_indirect_dma source(%dma_start3A_71 : memref<16384x512xf32, #tpu.memory_space<hbm>>) target(%arg6 : memref<32x512xf32, #tpu.memory_space<vmem>>) offsets(%dma_start3A_68 : memref<32xi32, #tpu.memory_space<vmem>>) semaphore(%arg12 : memref<!tpu.dma_semaphore, #tpu.memory_space<semaphore_mem>>)
    %dma_wait3A_72 = arith.constant 1760 : i32
    %dma_wait3A_73 = tpu.memref_slice %arg5[%dma_wait3A_72] : memref<2048xi32, #tpu.memory_space<vmem>> -> memref<32xi32, #tpu.memory_space<vmem>>
    %dma_wait3A_74 = arith.constant 0 : i32
    %dma_wait3A_75 = arith.constant 0 : i32
    %dma_wait3A_76 = tpu.memref_slice %arg3[%dma_wait3A_74, %dma_wait3A_75] : memref<16384x512xf32, #tpu.memory_space<hbm>> -> memref<16384x512xf32, #tpu.memory_space<hbm>>
    tpu.wait_indirect_dma semaphore(%arg13 : memref<!tpu.dma_semaphore, #tpu.memory_space<semaphore_mem>>) src(%dma_wait3A_76 : memref<16384x512xf32, #tpu.memory_space<hbm>>) dst(%arg7 : memref<32x512xf32, #tpu.memory_space<vmem>>)
    %add3A_77 = arith.constant 1760 : i32
    %add3A_78 = arith.addi %mul3A_2, %add3A_77 : i32
    %dma_start3A_79 = arith.constant 0 : i32
    %dma_start3A_80 = tpu.memref_slice %arg4[%add3A_78, %dma_start3A_79] : memref<65536x512xf32, #tpu.memory_space<hbm>> -> memref<32x512xf32, #tpu.memory_space<hbm>>
    %dma_start3A_81 = arith.constant 0 : i32
    %dma_start3A_82 = tpu.memref_slice %arg4[%add3A_78, %dma_start3A_81] : memref<65536x512xf32, #tpu.memory_space<hbm>> -> memref<32x512xf32, #tpu.memory_space<hbm>>
    tpu.enqueue_dma source(%arg7 : memref<32x512xf32, #tpu.memory_space<vmem>>) target(%dma_start3A_82 : memref<32x512xf32, #tpu.memory_space<hbm>>) target_semaphore(%arg19 : memref<!tpu.dma_semaphore, #tpu.memory_space<semaphore_mem>>)
    %add3A_83 = arith.constant 1760 : i32
    %add3A_84 = arith.addi %mul3A_2, %add3A_83 : i32
    %dma_wait3A_85 = arith.constant 0 : i32
    %dma_wait3A_86 = tpu.memref_slice %arg4[%add3A_84, %dma_wait3A_85] : memref<65536x512xf32, #tpu.memory_space<hbm>> -> memref<32x512xf32, #tpu.memory_space<hbm>>
    %dma_wait3A_87 = arith.constant 0 : i32
    %dma_wait3A_88 = tpu.memref_slice %arg4[%add3A_84, %dma_wait3A_87] : memref<65536x512xf32, #tpu.memory_space<hbm>> -> memref<32x512xf32, #tpu.memory_space<hbm>>
    tpu.wait_dma2 semaphore(%arg19 : memref<!tpu.dma_semaphore, #tpu.memory_space<semaphore_mem>>) src(%arg7 : memref<32x512xf32, #tpu.memory_space<vmem>>) dst(%dma_wait3A_88 : memref<32x512xf32, #tpu.memory_space<hbm>>)
    %dma_start3A_89 = arith.constant 1952 : i32
    %dma_start3A_90 = tpu.memref_slice %arg5[%dma_start3A_89] : memref<2048xi32, #tpu.memory_space<vmem>> -> memref<32xi32, #tpu.memory_space<vmem>>
    %dma_start3A_91 = arith.constant 0 : i32
    %dma_start3A_92 = arith.constant 0 : i32
    %dma_start3A_93 = tpu.memref_slice %arg3[%dma_start3A_91, %dma_start3A_92] : memref<16384x512xf32, #tpu.memory_space<hbm>> -> memref<16384x512xf32, #tpu.memory_space<hbm>>
    tpu.enqueue_indirect_dma source(%dma_start3A_93 : memref<16384x512xf32, #tpu.memory_space<hbm>>) target(%arg7 : memref<32x512xf32, #tpu.memory_space<vmem>>) offsets(%dma_start3A_90 : memref<32xi32, #tpu.memory_space<vmem>>) semaphore(%arg13 : memref<!tpu.dma_semaphore, #tpu.memory_space<semaphore_mem>>)
    %dma_wait3A_94 = arith.constant 1792 : i32
    %dma_wait3A_95 = tpu.memref_slice %arg5[%dma_wait3A_94] : memref<2048xi32, #tpu.memory_space<vmem>> -> memref<32xi32, #tpu.memory_space<vmem>>
    %dma_wait3A_96 = arith.constant 0 : i32
    %dma_wait3A_97 = arith.constant 0 : i32
    %dma_wait3A_98 = tpu.memref_slice %arg3[%dma_wait3A_96, %dma_wait3A_97] : memref<16384x512xf32, #tpu.memory_space<hbm>> -> memref<16384x512xf32, #tpu.memory_space<hbm>>
    tpu.wait_indirect_dma semaphore(%arg14 : memref<!tpu.dma_semaphore, #tpu.memory_space<semaphore_mem>>) src(%dma_wait3A_98 : memref<16384x512xf32, #tpu.memory_space<hbm>>) dst(%arg8 : memref<32x512xf32, #tpu.memory_space<vmem>>)
    %add3A_99 = arith.constant 1792 : i32
    %add3A_100 = arith.addi %mul3A_2, %add3A_99 : i32
    %dma_start3A_101 = arith.constant 0 : i32
    %dma_start3A_102 = tpu.memref_slice %arg4[%add3A_100, %dma_start3A_101] : memref<65536x512xf32, #tpu.memory_space<hbm>> -> memref<32x512xf32, #tpu.memory_space<hbm>>
    %dma_start3A_103 = arith.constant 0 : i32
    %dma_start3A_104 = tpu.memref_slice %arg4[%add3A_100, %dma_start3A_103] : memref<65536x512xf32, #tpu.memory_space<hbm>> -> memref<32x512xf32, #tpu.memory_space<hbm>>
    tpu.enqueue_dma source(%arg8 : memref<32x512xf32, #tpu.memory_space<vmem>>) target(%dma_start3A_104 : memref<32x512xf32, #tpu.memory_space<hbm>>) target_semaphore(%arg20 : memref<!tpu.dma_semaphore, #tpu.memory_space<semaphore_mem>>)
    %add3A_105 = arith.constant 1792 : i32
    %add3A_106 = arith.addi %mul3A_2, %add3A_105 : i32
    %dma_wait3A_107 = arith.constant 0 : i32
    %dma_wait3A_108 = tpu.memref_slice %arg4[%add3A_106, %dma_wait3A_107] : memref<65536x512xf32, #tpu.memory_space<hbm>> -> memref<32x512xf32, #tpu.memory_space<hbm>>
    %dma_wait3A_109 = arith.constant 0 : i32
    %dma_wait3A_110 = tpu.memref_slice %arg4[%add3A_106, %dma_wait3A_109] : memref<65536x512xf32, #tpu.memory_space<hbm>> -> memref<32x512xf32, #tpu.memory_space<hbm>>
    tpu.wait_dma2 semaphore(%arg20 : memref<!tpu.dma_semaphore, #tpu.memory_space<semaphore_mem>>) src(%arg8 : memref<32x512xf32, #tpu.memory_space<vmem>>) dst(%dma_wait3A_110 : memref<32x512xf32, #tpu.memory_space<hbm>>)
    %dma_start3A_111 = arith.constant 1984 : i32
    %dma_start3A_112 = tpu.memref_slice %arg5[%dma_start3A_111] : memref<2048xi32, #tpu.memory_space<vmem>> -> memref<32xi32, #tpu.memory_space<vmem>>
    %dma_start3A_113 = arith.constant 0 : i32
    %dma_start3A_114 = arith.constant 0 : i32
    %dma_start3A_115 = tpu.memref_slice %arg3[%dma_start3A_113, %dma_start3A_114] : memref<16384x512xf32, #tpu.memory_space<hbm>> -> memref<16384x512xf32, #tpu.memory_space<hbm>>
    tpu.enqueue_indirect_dma source(%dma_start3A_115 : memref<16384x512xf32, #tpu.memory_space<hbm>>) target(%arg8 : memref<32x512xf32, #tpu.memory_space<vmem>>) offsets(%dma_start3A_112 : memref<32xi32, #tpu.memory_space<vmem>>) semaphore(%arg14 : memref<!tpu.dma_semaphore, #tpu.memory_space<semaphore_mem>>)
    %dma_wait3A_116 = arith.constant 1824 : i32
    %dma_wait3A_117 = tpu.memref_slice %arg5[%dma_wait3A_116] : memref<2048xi32, #tpu.memory_space<vmem>> -> memref<32xi32, #tpu.memory_space<vmem>>
    %dma_wait3A_118 = arith.constant 0 : i32
    %dma_wait3A_119 = arith.constant 0 : i32
    %dma_wait3A_120 = tpu.memref_slice %arg3[%dma_wait3A_118, %dma_wait3A_119] : memref<16384x512xf32, #tpu.memory_space<hbm>> -> memref<16384x512xf32, #tpu.memory_space<hbm>>
    tpu.wait_indirect_dma semaphore(%arg15 : memref<!tpu.dma_semaphore, #tpu.memory_space<semaphore_mem>>) src(%dma_wait3A_120 : memref<16384x512xf32, #tpu.memory_space<hbm>>) dst(%arg9 : memref<32x512xf32, #tpu.memory_space<vmem>>)
    %add3A_121 = arith.constant 1824 : i32
    %add3A_122 = arith.addi %mul3A_2, %add3A_121 : i32
    %dma_start3A_123 = arith.constant 0 : i32
    %dma_start3A_124 = tpu.memref_slice %arg4[%add3A_122, %dma_start3A_123] : memref<65536x512xf32, #tpu.memory_space<hbm>> -> memref<32x512xf32, #tpu.memory_space<hbm>>
    %dma_start3A_125 = arith.constant 0 : i32
    %dma_start3A_126 = tpu.memref_slice %arg4[%add3A_122, %dma_start3A_125] : memref<65536x512xf32, #tpu.memory_space<hbm>> -> memref<32x512xf32, #tpu.memory_space<hbm>>
    tpu.enqueue_dma source(%arg9 : memref<32x512xf32, #tpu.memory_space<vmem>>) target(%dma_start3A_126 : memref<32x512xf32, #tpu.memory_space<hbm>>) target_semaphore(%arg21 : memref<!tpu.dma_semaphore, #tpu.memory_space<semaphore_mem>>)
    %add3A_127 = arith.constant 1824 : i32
    %add3A_128 = arith.addi %mul3A_2, %add3A_127 : i32
    %dma_wait3A_129 = arith.constant 0 : i32
    %dma_wait3A_130 = tpu.memref_slice %arg4[%add3A_128, %dma_wait3A_129] : memref<65536x512xf32, #tpu.memory_space<hbm>> -> memref<32x512xf32, #tpu.memory_space<hbm>>
    %dma_wait3A_131 = arith.constant 0 : i32
    %dma_wait3A_132 = tpu.memref_slice %arg4[%add3A_128, %dma_wait3A_131] : memref<65536x512xf32, #tpu.memory_space<hbm>> -> memref<32x512xf32, #tpu.memory_space<hbm>>
    tpu.wait_dma2 semaphore(%arg21 : memref<!tpu.dma_semaphore, #tpu.memory_space<semaphore_mem>>) src(%arg9 : memref<32x512xf32, #tpu.memory_space<vmem>>) dst(%dma_wait3A_132 : memref<32x512xf32, #tpu.memory_space<hbm>>)
    %dma_start3A_133 = arith.constant 2016 : i32
    %dma_start3A_134 = tpu.memref_slice %arg5[%dma_start3A_133] : memref<2048xi32, #tpu.memory_space<vmem>> -> memref<32xi32, #tpu.memory_space<vmem>>
    %dma_start3A_135 = arith.constant 0 : i32
    %dma_start3A_136 = arith.constant 0 : i32
    %dma_start3A_137 = tpu.memref_slice %arg3[%dma_start3A_135, %dma_start3A_136] : memref<16384x512xf32, #tpu.memory_space<hbm>> -> memref<16384x512xf32, #tpu.memory_space<hbm>>
    tpu.enqueue_indirect_dma source(%dma_start3A_137 : memref<16384x512xf32, #tpu.memory_space<hbm>>) target(%arg9 : memref<32x512xf32, #tpu.memory_space<vmem>>) offsets(%dma_start3A_134 : memref<32xi32, #tpu.memory_space<vmem>>) semaphore(%arg15 : memref<!tpu.dma_semaphore, #tpu.memory_space<semaphore_mem>>)
    %dma_wait3A_138 = arith.constant 1856 : i32
    %dma_wait3A_139 = tpu.memref_slice %arg5[%dma_wait3A_138] : memref<2048xi32, #tpu.memory_space<vmem>> -> memref<32xi32, #tpu.memory_space<vmem>>
    %dma_wait3A_140 = arith.constant 0 : i32
    %dma_wait3A_141 = arith.constant 0 : i32
    %dma_wait3A_142 = tpu.memref_slice %arg3[%dma_wait3A_140, %dma_wait3A_141] : memref<16384x512xf32, #tpu.memory_space<hbm>> -> memref<16384x512xf32, #tpu.memory_space<hbm>>
    tpu.wait_indirect_dma semaphore(%arg16 : memref<!tpu.dma_semaphore, #tpu.memory_space<semaphore_mem>>) src(%dma_wait3A_142 : memref<16384x512xf32, #tpu.memory_space<hbm>>) dst(%arg10 : memref<32x512xf32, #tpu.memory_space<vmem>>)
    %add3A_143 = arith.constant 1856 : i32
    %add3A_144 = arith.addi %mul3A_2, %add3A_143 : i32
    %dma_start3A_145 = arith.constant 0 : i32
    %dma_start3A_146 = tpu.memref_slice %arg4[%add3A_144, %dma_start3A_145] : memref<65536x512xf32, #tpu.memory_space<hbm>> -> memref<32x512xf32, #tpu.memory_space<hbm>>
    %dma_start3A_147 = arith.constant 0 : i32
    %dma_start3A_148 = tpu.memref_slice %arg4[%add3A_144, %dma_start3A_147] : memref<65536x512xf32, #tpu.memory_space<hbm>> -> memref<32x512xf32, #tpu.memory_space<hbm>>
    tpu.enqueue_dma source(%arg10 : memref<32x512xf32, #tpu.memory_space<vmem>>) target(%dma_start3A_148 : memref<32x512xf32, #tpu.memory_space<hbm>>) target_semaphore(%arg22 : memref<!tpu.dma_semaphore, #tpu.memory_space<semaphore_mem>>)
    %dma_wait3A_149 = arith.constant 1888 : i32
    %dma_wait3A_150 = tpu.memref_slice %arg5[%dma_wait3A_149] : memref<2048xi32, #tpu.memory_space<vmem>> -> memref<32xi32, #tpu.memory_space<vmem>>
    %dma_wait3A_151 = arith.constant 0 : i32
    %dma_wait3A_152 = arith.constant 0 : i32
    %dma_wait3A_153 = tpu.memref_slice %arg3[%dma_wait3A_151, %dma_wait3A_152] : memref<16384x512xf32, #tpu.memory_space<hbm>> -> memref<16384x512xf32, #tpu.memory_space<hbm>>
    tpu.wait_indirect_dma semaphore(%arg17 : memref<!tpu.dma_semaphore, #tpu.memory_space<semaphore_mem>>) src(%dma_wait3A_153 : memref<16384x512xf32, #tpu.memory_space<hbm>>) dst(%arg11 : memref<32x512xf32, #tpu.memory_space<vmem>>)
    %add3A_154 = arith.constant 1888 : i32
    %add3A_155 = arith.addi %mul3A_2, %add3A_154 : i32
    %dma_start3A_156 = arith.constant 0 : i32
    %dma_start3A_157 = tpu.memref_slice %arg4[%add3A_155, %dma_start3A_156] : memref<65536x512xf32, #tpu.memory_space<hbm>> -> memref<32x512xf32, #tpu.memory_space<hbm>>
    %dma_start3A_158 = arith.constant 0 : i32
    %dma_start3A_159 = tpu.memref_slice %arg4[%add3A_155, %dma_start3A_158] : memref<65536x512xf32, #tpu.memory_space<hbm>> -> memref<32x512xf32, #tpu.memory_space<hbm>>
    tpu.enqueue_dma source(%arg11 : memref<32x512xf32, #tpu.memory_space<vmem>>) target(%dma_start3A_159 : memref<32x512xf32, #tpu.memory_space<hbm>>) target_semaphore(%arg23 : memref<!tpu.dma_semaphore, #tpu.memory_space<semaphore_mem>>)
    %dma_wait3A_160 = arith.constant 1920 : i32
    %dma_wait3A_161 = tpu.memref_slice %arg5[%dma_wait3A_160] : memref<2048xi32, #tpu.memory_space<vmem>> -> memref<32xi32, #tpu.memory_space<vmem>>
    %dma_wait3A_162 = arith.constant 0 : i32
    %dma_wait3A_163 = arith.constant 0 : i32
    %dma_wait3A_164 = tpu.memref_slice %arg3[%dma_wait3A_162, %dma_wait3A_163] : memref<16384x512xf32, #tpu.memory_space<hbm>> -> memref<16384x512xf32, #tpu.memory_space<hbm>>
    tpu.wait_indirect_dma semaphore(%arg12 : memref<!tpu.dma_semaphore, #tpu.memory_space<semaphore_mem>>) src(%dma_wait3A_164 : memref<16384x512xf32, #tpu.memory_space<hbm>>) dst(%arg6 : memref<32x512xf32, #tpu.memory_space<vmem>>)
    %add3A_165 = arith.constant 1920 : i32
    %add3A_166 = arith.addi %mul3A_2, %add3A_165 : i32
    %dma_start3A_167 = arith.constant 0 : i32
    %dma_start3A_168 = tpu.memref_slice %arg4[%add3A_166, %dma_start3A_167] : memref<65536x512xf32, #tpu.memory_space<hbm>> -> memref<32x512xf32, #tpu.memory_space<hbm>>
    %dma_start3A_169 = arith.constant 0 : i32
    %dma_start3A_170 = tpu.memref_slice %arg4[%add3A_166, %dma_start3A_169] : memref<65536x512xf32, #tpu.memory_space<hbm>> -> memref<32x512xf32, #tpu.memory_space<hbm>>
    tpu.enqueue_dma source(%arg6 : memref<32x512xf32, #tpu.memory_space<vmem>>) target(%dma_start3A_170 : memref<32x512xf32, #tpu.memory_space<hbm>>) target_semaphore(%arg18 : memref<!tpu.dma_semaphore, #tpu.memory_space<semaphore_mem>>)
    %dma_wait3A_171 = arith.constant 1952 : i32
    %dma_wait3A_172 = tpu.memref_slice %arg5[%dma_wait3A_171] : memref<2048xi32, #tpu.memory_space<vmem>> -> memref<32xi32, #tpu.memory_space<vmem>>
    %dma_wait3A_173 = arith.constant 0 : i32
    %dma_wait3A_174 = arith.constant 0 : i32
    %dma_wait3A_175 = tpu.memref_slice %arg3[%dma_wait3A_173, %dma_wait3A_174] : memref<16384x512xf32, #tpu.memory_space<hbm>> -> memref<16384x512xf32, #tpu.memory_space<hbm>>
    tpu.wait_indirect_dma semaphore(%arg13 : memref<!tpu.dma_semaphore, #tpu.memory_space<semaphore_mem>>) src(%dma_wait3A_175 : memref<16384x512xf32, #tpu.memory_space<hbm>>) dst(%arg7 : memref<32x512xf32, #tpu.memory_space<vmem>>)
    %add3A_176 = arith.constant 1952 : i32
    %add3A_177 = arith.addi %mul3A_2, %add3A_176 : i32
    %dma_start3A_178 = arith.constant 0 : i32
    %dma_start3A_179 = tpu.memref_slice %arg4[%add3A_177, %dma_start3A_178] : memref<65536x512xf32, #tpu.memory_space<hbm>> -> memref<32x512xf32, #tpu.memory_space<hbm>>
    %dma_start3A_180 = arith.constant 0 : i32
    %dma_start3A_181 = tpu.memref_slice %arg4[%add3A_177, %dma_start3A_180] : memref<65536x512xf32, #tpu.memory_space<hbm>> -> memref<32x512xf32, #tpu.memory_space<hbm>>
    tpu.enqueue_dma source(%arg7 : memref<32x512xf32, #tpu.memory_space<vmem>>) target(%dma_start3A_181 : memref<32x512xf32, #tpu.memory_space<hbm>>) target_semaphore(%arg19 : memref<!tpu.dma_semaphore, #tpu.memory_space<semaphore_mem>>)
    %dma_wait3A_182 = arith.constant 1984 : i32
    %dma_wait3A_183 = tpu.memref_slice %arg5[%dma_wait3A_182] : memref<2048xi32, #tpu.memory_space<vmem>> -> memref<32xi32, #tpu.memory_space<vmem>>
    %dma_wait3A_184 = arith.constant 0 : i32
    %dma_wait3A_185 = arith.constant 0 : i32
    %dma_wait3A_186 = tpu.memref_slice %arg3[%dma_wait3A_184, %dma_wait3A_185] : memref<16384x512xf32, #tpu.memory_space<hbm>> -> memref<16384x512xf32, #tpu.memory_space<hbm>>
    tpu.wait_indirect_dma semaphore(%arg14 : memref<!tpu.dma_semaphore, #tpu.memory_space<semaphore_mem>>) src(%dma_wait3A_186 : memref<16384x512xf32, #tpu.memory_space<hbm>>) dst(%arg8 : memref<32x512xf32, #tpu.memory_space<vmem>>)
    %add3A_187 = arith.constant 1984 : i32
    %add3A_188 = arith.addi %mul3A_2, %add3A_187 : i32
    %dma_start3A_189 = arith.constant 0 : i32
    %dma_start3A_190 = tpu.memref_slice %arg4[%add3A_188, %dma_start3A_189] : memref<65536x512xf32, #tpu.memory_space<hbm>> -> memref<32x512xf32, #tpu.memory_space<hbm>>
    %dma_start3A_191 = arith.constant 0 : i32
    %dma_start3A_192 = tpu.memref_slice %arg4[%add3A_188, %dma_start3A_191] : memref<65536x512xf32, #tpu.memory_space<hbm>> -> memref<32x512xf32, #tpu.memory_space<hbm>>
    tpu.enqueue_dma source(%arg8 : memref<32x512xf32, #tpu.memory_space<vmem>>) target(%dma_start3A_192 : memref<32x512xf32, #tpu.memory_space<hbm>>) target_semaphore(%arg20 : memref<!tpu.dma_semaphore, #tpu.memory_space<semaphore_mem>>)
    %dma_wait3A_193 = arith.constant 2016 : i32
    %dma_wait3A_194 = tpu.memref_slice %arg5[%dma_wait3A_193] : memref<2048xi32, #tpu.memory_space<vmem>> -> memref<32xi32, #tpu.memory_space<vmem>>
    %dma_wait3A_195 = arith.constant 0 : i32
    %dma_wait3A_196 = arith.constant 0 : i32
    %dma_wait3A_197 = tpu.memref_slice %arg3[%dma_wait3A_195, %dma_wait3A_196] : memref<16384x512xf32, #tpu.memory_space<hbm>> -> memref<16384x512xf32, #tpu.memory_space<hbm>>
    tpu.wait_indirect_dma semaphore(%arg15 : memref<!tpu.dma_semaphore, #tpu.memory_space<semaphore_mem>>) src(%dma_wait3A_197 : memref<16384x512xf32, #tpu.memory_space<hbm>>) dst(%arg9 : memref<32x512xf32, #tpu.memory_space<vmem>>)
    %add3A_198 = arith.constant 2016 : i32
    %add3A_199 = arith.addi %mul3A_2, %add3A_198 : i32
    %dma_start3A_200 = arith.constant 0 : i32
    %dma_start3A_201 = tpu.memref_slice %arg4[%add3A_199, %dma_start3A_200] : memref<65536x512xf32, #tpu.memory_space<hbm>> -> memref<32x512xf32, #tpu.memory_space<hbm>>
    %dma_start3A_202 = arith.constant 0 : i32
    %dma_start3A_203 = tpu.memref_slice %arg4[%add3A_199, %dma_start3A_202] : memref<65536x512xf32, #tpu.memory_space<hbm>> -> memref<32x512xf32, #tpu.memory_space<hbm>>
    tpu.enqueue_dma source(%arg9 : memref<32x512xf32, #tpu.memory_space<vmem>>) target(%dma_start3A_203 : memref<32x512xf32, #tpu.memory_space<hbm>>) target_semaphore(%arg21 : memref<!tpu.dma_semaphore, #tpu.memory_space<semaphore_mem>>)
    %add3A_204 = arith.constant 1856 : i32
    %add3A_205 = arith.addi %mul3A_2, %add3A_204 : i32
    %dma_wait3A_206 = arith.constant 0 : i32
    %dma_wait3A_207 = tpu.memref_slice %arg4[%add3A_205, %dma_wait3A_206] : memref<65536x512xf32, #tpu.memory_space<hbm>> -> memref<32x512xf32, #tpu.memory_space<hbm>>
    %dma_wait3A_208 = arith.constant 0 : i32
    %dma_wait3A_209 = tpu.memref_slice %arg4[%add3A_205, %dma_wait3A_208] : memref<65536x512xf32, #tpu.memory_space<hbm>> -> memref<32x512xf32, #tpu.memory_space<hbm>>
    tpu.wait_dma2 semaphore(%arg22 : memref<!tpu.dma_semaphore, #tpu.memory_space<semaphore_mem>>) src(%arg10 : memref<32x512xf32, #tpu.memory_space<vmem>>) dst(%dma_wait3A_209 : memref<32x512xf32, #tpu.memory_space<hbm>>)
    %add3A_210 = arith.constant 1888 : i32
    %add3A_211 = arith.addi %mul3A_2, %add3A_210 : i32
    %dma_wait3A_212 = arith.constant 0 : i32
    %dma_wait3A_213 = tpu.memref_slice %arg4[%add3A_211, %dma_wait3A_212] : memref<65536x512xf32, #tpu.memory_space<hbm>> -> memref<32x512xf32, #tpu.memory_space<hbm>>
    %dma_wait3A_214 = arith.constant 0 : i32
    %dma_wait3A_215 = tpu.memref_slice %arg4[%add3A_211, %dma_wait3A_214] : memref<65536x512xf32, #tpu.memory_space<hbm>> -> memref<32x512xf32, #tpu.memory_space<hbm>>
    tpu.wait_dma2 semaphore(%arg23 : memref<!tpu.dma_semaphore, #tpu.memory_space<semaphore_mem>>) src(%arg11 : memref<32x512xf32, #tpu.memory_space<vmem>>) dst(%dma_wait3A_215 : memref<32x512xf32, #tpu.memory_space<hbm>>)
    %add3A_216 = arith.constant 1920 : i32
    %add3A_217 = arith.addi %mul3A_2, %add3A_216 : i32
    %dma_wait3A_218 = arith.constant 0 : i32
    %dma_wait3A_219 = tpu.memref_slice %arg4[%add3A_217, %dma_wait3A_218] : memref<65536x512xf32, #tpu.memory_space<hbm>> -> memref<32x512xf32, #tpu.memory_space<hbm>>
    %dma_wait3A_220 = arith.constant 0 : i32
    %dma_wait3A_221 = tpu.memref_slice %arg4[%add3A_217, %dma_wait3A_220] : memref<65536x512xf32, #tpu.memory_space<hbm>> -> memref<32x512xf32, #tpu.memory_space<hbm>>
    tpu.wait_dma2 semaphore(%arg18 : memref<!tpu.dma_semaphore, #tpu.memory_space<semaphore_mem>>) src(%arg6 : memref<32x512xf32, #tpu.memory_space<vmem>>) dst(%dma_wait3A_221 : memref<32x512xf32, #tpu.memory_space<hbm>>)
    %add3A_222 = arith.constant 1952 : i32
    %add3A_223 = arith.addi %mul3A_2, %add3A_222 : i32
    %dma_wait3A_224 = arith.constant 0 : i32
    %dma_wait3A_225 = tpu.memref_slice %arg4[%add3A_223, %dma_wait3A_224] : memref<65536x512xf32, #tpu.memory_space<hbm>> -> memref<32x512xf32, #tpu.memory_space<hbm>>
    %dma_wait3A_226 = arith.constant 0 : i32
    %dma_wait3A_227 = tpu.memref_slice %arg4[%add3A_223, %dma_wait3A_226] : memref<65536x512xf32, #tpu.memory_space<hbm>> -> memref<32x512xf32, #tpu.memory_space<hbm>>
    tpu.wait_dma2 semaphore(%arg19 : memref<!tpu.dma_semaphore, #tpu.memory_space<semaphore_mem>>) src(%arg7 : memref<32x512xf32, #tpu.memory_space<vmem>>) dst(%dma_wait3A_227 : memref<32x512xf32, #tpu.memory_space<hbm>>)
    %add3A_228 = arith.constant 1984 : i32
    %add3A_229 = arith.addi %mul3A_2, %add3A_228 : i32
    %dma_wait3A_230 = arith.constant 0 : i32
    %dma_wait3A_231 = tpu.memref_slice %arg4[%add3A_229, %dma_wait3A_230] : memref<65536x512xf32, #tpu.memory_space<hbm>> -> memref<32x512xf32, #tpu.memory_space<hbm>>
    %dma_wait3A_232 = arith.constant 0 : i32
    %dma_wait3A_233 = tpu.memref_slice %arg4[%add3A_229, %dma_wait3A_232] : memref<65536x512xf32, #tpu.memory_space<hbm>> -> memref<32x512xf32, #tpu.memory_space<hbm>>
    tpu.wait_dma2 semaphore(%arg20 : memref<!tpu.dma_semaphore, #tpu.memory_space<semaphore_mem>>) src(%arg8 : memref<32x512xf32, #tpu.memory_space<vmem>>) dst(%dma_wait3A_233 : memref<32x512xf32, #tpu.memory_space<hbm>>)
    %add3A_234 = arith.constant 2016 : i32
    %add3A_235 = arith.addi %mul3A_2, %add3A_234 : i32
    %dma_wait3A_236 = arith.constant 0 : i32
    %dma_wait3A_237 = tpu.memref_slice %arg4[%add3A_235, %dma_wait3A_236] : memref<65536x512xf32, #tpu.memory_space<hbm>> -> memref<32x512xf32, #tpu.memory_space<hbm>>
    %dma_wait3A_238 = arith.constant 0 : i32
    %dma_wait3A_239 = tpu.memref_slice %arg4[%add3A_235, %dma_wait3A_238] : memref<65536x512xf32, #tpu.memory_space<hbm>> -> memref<32x512xf32, #tpu.memory_space<hbm>>
    tpu.wait_dma2 semaphore(%arg21 : memref<!tpu.dma_semaphore, #tpu.memory_space<semaphore_mem>>) src(%arg9 : memref<32x512xf32, #tpu.memory_space<vmem>>) dst(%dma_wait3A_239 : memref<32x512xf32, #tpu.memory_space<hbm>>)
    return
  }
}

</mosaic_0001>

<sc_bundles>
// kernel: kernel.3.cloned.1.call-start
scs
__scs_entry_jumppad:
0x0: {  	(pc) =	sbr.rel $0x88, $3  }
0x1: {  	(tag) =	ssettag $0x0;
	lr =	simm.s32 $0x1  }
0x2: {  	[smem:$0x3F9F] =	sst lr;
	_ =	strace $0xD0000000  }
0x3: {  	_ = 	snop  }
0x4: {  	_ = 	snop  }
0x5: {  	_ = 	snop  }
0x6: {  	_ = 	snop  }
0x7: {  	_ = 	snop  }
__scs_overlays_trampoline_lowered:
0x8: {  	[smem:$0x3FAE] =	sst s0  }
0x9: {  	[smem:$0x3FAF] =	sst s1  }
0xa: {  	[smem:$0x3FB0] =	sst s2  }
0xb: {  	[smem:$0x3FB1] =	sst s3  }
0xc: {  	[smem:$0x3FB2] =	sst s4  }
0xd: {  	[smem:$0x3FB3] =	sst s5  }
0xe: {  	[smem:$0x3FB4] =	sst s6  }
0xf: {  	[smem:$0x3FB5] =	sst s7  }
0x10: {  	[smem:$0x3FB6] =	sst s8  }
0x11: {  	[smem:$0x3FB7] =	sst s9;
	s0 =	simm.s32 @!p0 $0x0  }
0x12: {  	s1 =	sld [smem:$0x3F9D];
	s0 =	simm.s32 @p0 $0x1  }
0x13: {  	[smem:$0x3FB8] =	sst s0;
	s0 =	simm.s32 @!p1 $0x0  }
0x14: {  	s2 =	sld [smem:$0x3F9C];
	s0 =	simm.s32 @p1 $0x1  }
0x15: {  	[smem:$0x3FB9] =	sst s0;
	s0 =	simm.s32 @!p2 $0x0  }
0x16: {  	s3 =	sld [smem:$0x3FDB];
	s0 =	simm.s32 @p2 $0x1  }
0x17: {  	s4 =	simm.s32 $0x1BF5;
	[smem:$0x3FBB] =	sst s0  }
0x18: {  	s0 =	sld [smem:$0x3F9E];
	_ =	swait.ge [sflag:s4], $0x0  }
0x19: {  	s7 =	sld [smem:$0x3F9F]  }
0x1a: {  	s8 =	sadd.s32 $0xFFFFE003, lr  }
0x1b: {  	s9 =	sadd.s32 $0xFFFFFEF7, lr;
	s5 =	simm.s32 $0xFFFFFFFF;
	p2 =	slt.u32 s8, $0xFFFFF086  }
0x1c: {  	p1 =	slt.u32 s9, $0xF7A;
	s5 =	simm.s32 @!p2 $0x0  }
0x1d: {  	s5 =	simm.s32 @p1 $0x1;
	p0 =	seq.s32 s7, s2  }
0x1e: {  	s7 =	smul.u32 @!p0 $0xF7A, s2;
	p2 =	seq.s32 @!p0 s5, $0x0  }
0x1f: {  	s9 =	smul.u32 $0xF7A, s1;
	s8 =	simm.s32 @!p0 $0x1BF5;
	p2 =	por !p2, p0  }
0x20: {  	[sflag:s8] =	ssyncset.s32 @!p0 $0xFFFFF086;
	s6 =	sadd.s32 @!p0 s3, s7;
	s7 =	simm.s32 @!p0 $0x108  }
0x21: {  	s3 =	sadd.s32 s3, s9;
	s6 =	sadd.s32 @!p0 $0x88, s6;
	s7 =	simm.s32 @p2 $0x1082  }
0x22: {  	[simem:s7], [sflag:s8] =	dma.local @!p0 [hbm:s6], $0xF7A  }
0x23: {  	s9 =	sor.u32 $0xD0000000, s2;
	s6 =	simm.s32 $0x108;
	_ =	swait.ge @!p0 [sflag:s8], $0x0  }
0x24: {  	s3 =	sadd.s32 $0x88, s3;
	s6 =	simm.s32 @!p1 $0x1082;
	[sflag:s4] =	ssyncset.s32 $0xFFFFF086  }
0x25: {  	[simem:s6], [sflag:s4] =	dma.local [hbm:s3], $0xF7A  }
0x26: {  	[smem:$0x3F9F] =	sst s1;
	(tag) =	ssettag s2;
	_ =	strace s9  }
0x27: {  	s1 =	sld [smem:$0x3FAF]  }
0x28: {  	s2 =	sld [smem:$0x3FB0]  }
0x29: {  	s4 =	sld [smem:$0x3FB2]  }
0x2a: {  	p0 =	seq.s32 s5, $0x0;
	s5 =	sld [smem:$0x3FB3]  }
0x2b: {  	s6 =	sld [smem:$0x3FB4]  }
0x2c: {  	s7 =	sld [smem:$0x3FB5]  }
0x2d: {  	s3 =	simm.s32 $0x108;
	s8 =	sld [smem:$0x3FB6]  }
0x2e: {  	s3 =	simm.s32 @!p0 $0x1082;
	s9 =	sld [smem:$0x3FB7]  }
0x2f: {  	lr =	sadd.s32 s0, s3;
	s0 =	sld [smem:$0x3FAE]  }
0x30: {  	s3 =	sld [smem:$0x3FB1]  }
0x31: {  	[smem:$0x3FBA] =	sst s10  }
0x32: {  	s10 =	sld [smem:$0x3FB8];
	_ =	sdelay $0x3  }
0x33: {  	p0 =	seq.s32 s10, $0x1;
	s10 =	sld [smem:$0x3FBA];
	_ =	sdelay $0x3  }
0x34: {  	[smem:$0x3FBA] =	sst s10  }
0x35: {  	s10 =	sld [smem:$0x3FB9];
	_ =	sdelay $0x3  }
0x36: {  	p1 =	seq.s32 s10, $0x1;
	s10 =	sld [smem:$0x3FBA];
	_ =	sdelay $0x3  }
0x37: {  	[smem:$0x3FBA] =	sst s10  }
0x38: {  	s10 =	sld [smem:$0x3FBB]  }
0x39: {  	_ = 	snop;
	(pc) =	sbr.ind lr, $3  }
0x3a: {  	_ = 	snop  }
0x3b: {  	_ = 	snop  }
0x3c: {  	p2 =	seq.s32 s10, $0x1;
	s10 =	sld [smem:$0x3FBA]  }
0x3d: {  	_ =	shalt  }
0x3e: {  	_ =	shalt  }
0x3f: {  	_ =	shalt  }
0x40: {  	_ =	shalt  }
0x41: {  	_ =	shalt  }
0x42: {  	_ =	shalt  }
0x43: {  	_ =	shalt  }
0x44: {  	_ =	shalt  }
0x45: {  	_ =	shalt  }
0x46: {  	_ =	shalt  }
0x47: {  	_ =	shalt  }
0x48: {  	_ =	shalt  }
0x49: {  	_ =	shalt  }
0x4a: {  	_ =	shalt  }
0x4b: {  	_ =	shalt  }
0x4c: {  	_ =	shalt  }
0x4d: {  	_ =	shalt  }
0x4e: {  	_ =	shalt  }
0x4f: {  	_ =	shalt  }
0x50: {  	_ =	shalt  }
0x51: {  	_ =	shalt  }
0x52: {  	_ =	shalt  }
0x53: {  	_ =	shalt  }
0x54: {  	_ =	shalt  }
0x55: {  	_ =	shalt  }
0x56: {  	_ =	shalt  }
0x57: {  	_ =	shalt  }
0x58: {  	_ =	shalt  }
0x59: {  	_ =	shalt  }
0x5a: {  	_ =	shalt  }
0x5b: {  	_ =	shalt  }
0x5c: {  	_ =	shalt  }
0x5d: {  	_ =	shalt  }
0x5e: {  	_ =	shalt  }
0x5f: {  	_ =	shalt  }
0x60: {  	_ =	shalt  }
0x61: {  	_ =	shalt  }
0x62: {  	_ =	shalt  }
0x63: {  	_ =	shalt  }
0x64: {  	_ =	shalt  }
0x65: {  	_ =	shalt  }
0x66: {  	_ =	shalt  }
0x67: {  	_ =	shalt  }
0x68: {  	_ =	shalt  }
0x69: {  	_ =	shalt  }
0x6a: {  	_ =	shalt  }
0x6b: {  	_ =	shalt  }
0x6c: {  	_ =	shalt  }
0x6d: {  	_ =	shalt  }
0x6e: {  	_ =	shalt  }
0x6f: {  	_ =	shalt  }
0x70: {  	_ =	shalt  }
0x71: {  	_ =	shalt  }
0x72: {  	_ =	shalt  }
0x73: {  	_ =	shalt  }
0x74: {  	_ =	shalt  }
0x75: {  	_ =	shalt  }
0x76: {  	_ =	shalt  }
0x77: {  	_ =	shalt  }
0x78: {  	_ =	shalt  }
0x79: {  	_ =	shalt  }
0x7a: {  	_ =	shalt  }
0x7b: {  	_ =	shalt  }
0x7c: {  	_ =	shalt  }
0x7d: {  	_ =	shalt  }
0x7e: {  	_ =	shalt  }
0x7f: {  	_ =	shalt  }
0x80: {  	_ =	shalt  }
0x81: {  	_ =	shalt  }
0x82: {  	_ =	shalt  }
0x83: {  	_ =	shalt  }
0x84: {  	_ =	shalt  }
0x85: {  	_ =	shalt  }
0x86: {  	_ =	shalt  }
0x87: {  	_ =	shalt  }
.Lfunc_end0:
.L_simem_size_0:
called_computation_lowered:
.L_overlay_start_0:
0x88: {  	s2 =	sld [smem:$0x3FD9]  }
0x89: {  	s3 =	sld [smem:$0x3FFE];
	_ =	sdelay $0x1  }
0x8a: {  	s1 =	srdreg.scid  }
0x8b: {  	s0 =	sand.u32 $0x1, s1  }
0x8c: {  	s17 =	sshll.u32 s0, $0xA;
	s2 =	sadd.s32 s3, s2  }
0x8d: {  	s2 =	sadd.s32 s2, s17  }
0x8e: {  	[smem:$0x3FC6] =	sst s2  }
0x8f: {  	_ = 	snop  }
0x90: {  	s2 =	sld [smem:$0x3FC8]  }
0x91: {  	s18 =	sld [smem:$0x3FD0];
	(tm) =	ssettm $0x1  }
0x92: {  	s4 =	sld [smem:$0x3FFB];
	_ =	sdelay $0x3  }
0x93: {  	_ =	strace s4  }
0x94: {  	s4 =	sld [smem:$0x3FFC];
	_ =	sdelay $0x3  }
0x95: {  	_ =	strace s4  }
0x96: {  	s4 =	sld [smem:$0x3FFD];
	_ =	sdelay $0x3  }
0x97: {  	_ =	strace s4  }
0x98: {  	_ =	strace $0x8FFFFFFF  }
0x99: {  	s19 =	sld [smem:$0x3FDB];
	_ =	sdelay $0x1  }
0x9a: {  	s5 =	simm.s32 $_scs_section_size  }
0x9b: {  	s6 =	simm.s32 $_size__tile_overlayer_lowered;
	s7 =	simm.s32 $_tile_overlayer_lowered  }
0x9c: {  	s22 =	simm.s32 $0x1BFF;
	s21 =	sshll.u32 s7, $0x1;
	s4 =	sadd.s32 s5, s19  }
0x9d: {  	s8 =	simm.s32 $0x0;
	s20 =	sshll.u32 s6, $0x1;
	s6 =	sadd.s32 s21, s4  }
0x9e: {  	[timem:s8], [sflag:s22] =	dma.local [hbm:s6], s20  }
0x9f: {  	_ =	swait.ge [sflag:s22], s20  }
0xa0: {  	s5 =	ssub.s32 $0x0, s20;
	[sflag:s22] =	ssyncset.done $0x0  }
0xa1: {  	[sflag:s22] =	ssyncadd.s32 s5;
	_ =	sdelay $0x1  }
0xa2: {  	s23 =	simm.s32 $0x1B8B  }
0xa3: {  	_ =	swait.ge [sflag:s23], $0x1  }
0xa4: {  	[sflag:s23] =	ssyncset.done $0x0  }
0xa5: {  	s25 =	simm.s32 $0x1B8E;
	s24 =	sld [smem:$0x3FFE];
	[sflag:s23] =	ssyncadd.s32 $0xFFFFFFFF  }
0xa6: {  	s26 =	simm.s32 $execute0_lowered;
	[smem:$0x3FD2] =	sst s25  }
0xa7: {  	s6 =	sshll.u32 s26, $0x1;
	_ =	strace $0x80000046;
	[dreg:$0x1] =	wrdreg $0xFFFFFFFF  }
0xa8: {  	s28 =	simm.s32 $_size_execute0_lowered;
	s4 =	sadd.s32 s4, s6;
	[dreg:$0x0] =	wrdreg $0x0  }
0xa9: {  	s6 =	sshll.u32 s28, $0x1;
	[dreg:$0x2] =	wrdreg s4  }
0xaa: {  	[dreg:$0x3] =	wrdreg s6  }
0xab: {  	[dreg:$0x4] =	wrdreg $0xC0  }
0xac: {  	_ =	task [dreg:s8], $0x5FFFF  }
0xad: {  	[dreg:$0x1] =	wrdreg $0xFFFFFFFF  }
0xae: {  	[dreg:$0x0] =	wrdreg $0x60  }
0xaf: {  	[dreg:$0x2] =	wrdreg s24  }
0xb0: {  	[dreg:$0x3] =	wrdreg s2  }
0xb1: {  	[dreg:$0x4] =	wrdreg s18  }
0xb2: {  	[dreg:$0x5] =	wrdreg $0x9  }
0xb3: {  	_ =	task.clear_ibuf [dreg:s8], $0x6FFFF;
	_ =	strace $0x90000046  }
0xb4: {  	s29 =	simm.s32 $0x9;
	_ =	strace $0x80000048  }
0xb5: {  	_ =	swait.ge [sflag:s29], $0x1  }
0xb6: {  	[sflag:s29] =	ssyncadd.s32 $0xFFFFFFFF  }
0xb7: {  	_ =	strace $0x90000048  }
0xb8: {  	_ =	sfence  }
0xb9: {  	s30 =	sld [smem:$0x0];
	_ =	sdelay $0x2  }
0xba: {  	s31 =	sshll.u32 s1, $0xD;
	s1 =	sshrl.u32 s1, $0x2  }
0xbb: {  	s3 =	sand.u32 $0x4000, s31;
	s1 =	sadd.s32 s1, s30  }
0xbc: {  	s0 =	sor.u32 s3, s0;
	s1 =	sshll.u32 s1, $0x11  }
0xbd: {  	s0 =	sor.u32 s1, s0  }
0xbe: {  	s0 =	sadd.s32 $0x8F2B, s0  }
0xbf: {  	[sflag:s0] =	ssyncadd.remote.s32 $0x1  }
0xc0: {  	_ =	sfence.sel $0xFFFF  }
0xc1: {  	[dreg:$0x0] =	wrdreg $0xFFFFFFFF;
	(pc) =	sbr.abs _section_cstart, $3  }
0xc2: {  	[dreg:$0x1] =	wrdreg $0xFFFFFFFF  }
0xc3: {  	_ =	task.clear_ibuf [dreg:s8], $0x2FFFF;
	_ =	strace $0x9FFFFFFF  }
0xc4: {  	(tm) =	ssettm $0x7FFFFFFF  }
0xc5: {  	_ =	shalt  }
tec
execute0_lowered:
.L_overlay_start_1:
0x0: {  	(tag) =	ssettag $0x1  }
0x1: {  	s0 =	rddreg [dreg:$0x0]  }
0x2: {  	s2 =	rddreg [dreg:$0x1]  }
0x3: {  	s1 =	rddreg [dreg:$0x2]  }
0x4: {  	s3 =	srdreg.scid;
	s9 =	stileid.u32;
	s31 =	simm.s32 $0x800  }
0x5: {  	s29 =	simm.s32 $0x4800;
	s30 =	simm.s32 $0x11800;
	s10 =	simm.s32 $0x7  }
0x6: {  	s11 =	simm.s32 $0x8;
	s28 =	simm.s32 $0x6;
	s4 =	sand.u32 $0x1, s3  }
0x7: {  	s3 =	simm.s32 $0x0;
	s5 =	sshll.u32 s9, $0xC;
	s22 =	sshll.u32 s9, $0x12  }
0x8: {  	s9 =	simm.s32 $0x12800;
	s6 =	sshll.u32 s4, $0xB;
	s12 =	ssub.s32 $0x2, s4  }
0x9: {  	[smem:$0x7FF] =	sst s3;
	s5 =	sor.u32 s6, s5;
	s8 =	sshrl.u32 s12, $0x1  }
0xa: {  	s4 =	sshll.u32 s4, $0x11;
	s7 =	sshrl.u32 s5, $0x3;
	s13 =	ssub.s32 s12, s8  }
0xb: {  	_ =	strace $0x80000047;
	s0 =	sadd.s32 s7, s0;
	s26 =	smax.u32 s13, $0x1  }
0xc: {  	s5 =	sshll.u32 s5, $0x6;
	s14 =	sadd.s32 $0x400, s0;
	[dreg:$0x11] =	wrdreg s26  }
0xd: {  	s15 =	sadd.s32 s5, s1;
	s0 =	sadd.s32 $0x418, s0;
	[dreg:$0x5] =	wrdreg s14  }
0xe: {  	s6 =	sadd.s32 $0x100, s2;
	s5 =	sadd.s32 $0x1B000, s15;
	[dreg:$0x6] =	wrdreg s0  }
0xf: {  	s12 =	simm.s32 $0x9;
	s16 =	sadd.s32 $0x1B800, s15;
	[dreg:$0x7] =	wrdreg s5  }
0x10: {  	s1 =	sadd.s32 s22, s1;
	s17 =	sadd.s32 $0x1C000, s15;
	[dreg:$0x8] =	wrdreg s16  }
0x11: {  	s22 =	simm.s32 $0x13000;
	s18 =	sadd.s32 $0x1C800, s15;
	[dreg:$0x9] =	wrdreg s17  }
0x12: {  	s7 =	simm.s32 $0x14800;
	s19 =	sadd.s32 $0x1D000, s15;
	[dreg:$0xa] =	wrdreg s18  }
0x13: {  	s13 =	simm.s32 $0x4;
	s20 =	sadd.s32 $0x1D800, s15;
	[dreg:$0xb] =	wrdreg s19  }
0x14: {  	s21 =	sadd.s32 $0x1E000, s15;
	s23 =	sadd.s32 $0x1E800, s15;
	[dreg:$0xc] =	wrdreg s20  }
0x15: {  	s24 =	sadd.s32 $0x1F000, s15;
	s25 =	sadd.s32 s4, s1;
	[dreg:$0xd] =	wrdreg s21  }
0x16: {  	s4 =	simm.s32 $0x8800;
	s1 =	simm.s32 $0x2;
	[dreg:$0xe] =	wrdreg s23  }
0x17: {  	s26 =	simm.s32 $0xA;
	[dreg:$0xf] =	wrdreg s24;
	s0 =	sadd.s32 $0x1F800, s15  }
0x18: {  	[dreg:$0x4] =	wrdreg s25;
	s15 =	simm.s32 $0xC800;
	s25 =	simm.s32 $0x10800  }
0x19: {  	s18 =	simm.s32 $0x11000;
	s21 =	simm.s32 $0x12000;
	s23 =	simm.s32 $0x13800  }
0x1a: {  	v2 =	vlaneseq.u32;
	s24 =	simm.s32 $0x14000;
	s20 =	simm.s32 $0x15000;
	s19 =	simm.s32 $0x3  }
0x1b: {  	vm0 =	vmmov $0xffff;
	v1 =	vshrl.u32 v2, $0x3;
	s14 =	simm.s32 $0x5;
	s5 =	simm.s32 $0xB;
	s16 =	simm.s32 $0xC  }
0x1c: {  	v0 =	vand.u32 $0x7, v2;
	v2 =	vor.u32 $0x8, v2;
	v1 =	vmul.u32 $0x8, v1;
	s17 =	simm.s32 $0x0;
	[dreg:$0x10] =	wrdreg s0;
	s0 =	simm.s32 $0x1  }
.LBB2_1:
0x1d: {  	[dreg:$0x12] =	wrdreg s17  }
0x1e: {  	s8 =	rddreg [dreg:$0x5];
	s17 =	simm.s32 $0xE  }
0x1f: {  	[tilespmem:s3], [sflag:$0xE] =	stream.linear.gather [hbm4b:s8+s3], $0xC0, $0x38;
	[tilespmem:$0x18800] =	vst v63  }
0x20: {  	_ =	swait.ge [sflag:s17], $0xC0  }
0x21: {  	[sflag:s17] =	ssyncset.done $0x0  }
0x22: {  	s8 =	rddreg [dreg:$0x6];
	[sflag:s17] =	ssyncadd.s32 $0xFFFFFF40;
	s17 =	simm.s32 $0xC0  }
0x23: {  	[tilespmem:s17], [sflag:$0xD] =	stream.linear.gather [hbm4b:s8+s3], $0x740, $0x38;
	[tilespmem:$0x18800] =	vst v63  }
0x24: {  	v3 =	vld [tilespmem:$0x0];
	_ =	sdelay $0x4  }
0x25: {  	v4 =	vshll.u32 v3, $0x2  }
0x26: {  	v3 =	vand.u32 $0x7, v3;
	v4 =	vand.u32 $0xFFFFFFE0, v4  }
0x27: {  	v3 =	vor.u32 v3, v4  }
0x28: {  	v4 =	vperm.xlane v3, v0;
	_ =	sdelay $0x1  }
0x29: {  	v4 =	vadd.s32 v1, v4;
	_ =	sdelay $0x1  }
0x2a: {  	v3 =	vperm.xlane v3, v2;
	_ =	sdelay $0x1  }
0x2b: {  	v3 =	vadd.s32 v1, v3  }
0x2c: {  	[tilespmem:s31], [sflag:$0x1] =	stream.indirect_vreg.gather [hbm4b:s2+s3], $0x80, v4, vm0, $0xb8;
	[tilespmem:$0x18800] =	vst v63  }
0x2d: {  	s17 =	simm.s32 $0x1000  }
0x2e: {  	[tilespmem:s17], [sflag:$0x1] =	stream.indirect_vreg.gather [hbm4b:s6+s3], $0x80, v4, vm0, $0xb8;
	[tilespmem:$0x18800] =	vst v63  }
0x2f: {  	s17 =	simm.s32 $0x1800  }
0x30: {  	[tilespmem:s17], [sflag:$0x1] =	stream.indirect_vreg.gather [hbm4b:s2+s3], $0x80, v3, vm0, $0xb8;
	[tilespmem:$0x18800] =	vst v63  }
0x31: {  	s17 =	simm.s32 $0x2000  }
0x32: {  	[tilespmem:s17], [sflag:$0x1] =	stream.indirect_vreg.gather [hbm4b:s6+s3], $0x80, v3, vm0, $0xb8;
	[tilespmem:$0x18800] =	vst v63  }
0x33: {  	v3 =	vld [tilespmem:$0x10];
	_ =	sdelay $0x4  }
0x34: {  	v53 =	vshll.u32 v3, $0x2  }
0x35: {  	v3 =	vand.u32 $0x7, v3;
	v4 =	vand.u32 $0xFFFFFFE0, v53  }
0x36: {  	v3 =	vor.u32 v3, v4  }
0x37: {  	v4 =	vperm.xlane v3, v0;
	_ =	sdelay $0x1  }
0x38: {  	v4 =	vadd.s32 v1, v4;
	_ =	sdelay $0x1  }
0x39: {  	v3 =	vperm.xlane v3, v2;
	_ =	sdelay $0x1  }
0x3a: {  	s17 =	simm.s32 $0x2800;
	v3 =	vadd.s32 v1, v3  }
0x3b: {  	[tilespmem:s17], [sflag:$0x1] =	stream.indirect_vreg.gather [hbm4b:s2+s3], $0x80, v4, vm0, $0xb8;
	[tilespmem:$0x18800] =	vst v63  }
0x3c: {  	s17 =	simm.s32 $0x3000  }
0x3d: {  	[tilespmem:s17], [sflag:$0x1] =	stream.indirect_vreg.gather [hbm4b:s6+s3], $0x80, v4, vm0, $0xb8;
	[tilespmem:$0x18800] =	vst v63  }
0x3e: {  	s17 =	simm.s32 $0x3800  }
0x3f: {  	[tilespmem:s17], [sflag:$0x1] =	stream.indirect_vreg.gather [hbm4b:s2+s3], $0x80, v3, vm0, $0xb8;
	[tilespmem:$0x18800] =	vst v63  }
0x40: {  	s17 =	simm.s32 $0x4000  }
0x41: {  	[tilespmem:s17], [sflag:$0x1] =	stream.indirect_vreg.gather [hbm4b:s6+s3], $0x80, v3, vm0, $0xb8;
	[tilespmem:$0x18800] =	vst v63  }
0x42: {  	v3 =	vld [tilespmem:$0x20];
	_ =	sdelay $0x4  }
0x43: {  	v54 =	vshll.u32 v3, $0x2  }
0x44: {  	v3 =	vand.u32 $0x7, v3;
	v4 =	vand.u32 $0xFFFFFFE0, v54  }
0x45: {  	v3 =	vor.u32 v3, v4  }
0x46: {  	v4 =	vperm.xlane v3, v0;
	_ =	sdelay $0x1  }
0x47: {  	v4 =	vadd.s32 v1, v4;
	_ =	sdelay $0x1  }
0x48: {  	v3 =	vperm.xlane v3, v2;
	_ =	sdelay $0x1  }
0x49: {  	v3 =	vadd.s32 v1, v3  }
0x4a: {  	[tilespmem:s29], [sflag:$0x2] =	stream.indirect_vreg.gather [hbm4b:s2+s3], $0x80, v4, vm0, $0xb8;
	[tilespmem:$0x18800] =	vst v63  }
0x4b: {  	s17 =	simm.s32 $0x5000  }
0x4c: {  	[tilespmem:s17], [sflag:$0x2] =	stream.indirect_vreg.gather [hbm4b:s6+s3], $0x80, v4, vm0, $0xb8;
	[tilespmem:$0x18800] =	vst v63  }
0x4d: {  	s17 =	simm.s32 $0x5800  }
0x4e: {  	[tilespmem:s17], [sflag:$0x2] =	stream.indirect_vreg.gather [hbm4b:s2+s3], $0x80, v3, vm0, $0xb8;
	[tilespmem:$0x18800] =	vst v63  }
0x4f: {  	s17 =	simm.s32 $0x6000  }
0x50: {  	[tilespmem:s17], [sflag:$0x2] =	stream.indirect_vreg.gather [hbm4b:s6+s3], $0x80, v3, vm0, $0xb8;
	[tilespmem:$0x18800] =	vst v63  }
0x51: {  	v3 =	vld [tilespmem:$0x30];
	_ =	sdelay $0x4  }
0x52: {  	v55 =	vshll.u32 v3, $0x2  }
0x53: {  	v3 =	vand.u32 $0x7, v3;
	v4 =	vand.u32 $0xFFFFFFE0, v55  }
0x54: {  	v3 =	vor.u32 v3, v4  }
0x55: {  	v4 =	vperm.xlane v3, v0;
	_ =	sdelay $0x1  }
0x56: {  	v4 =	vadd.s32 v1, v4;
	_ =	sdelay $0x1  }
0x57: {  	v3 =	vperm.xlane v3, v2;
	_ =	sdelay $0x1  }
0x58: {  	s17 =	simm.s32 $0x6800;
	v3 =	vadd.s32 v1, v3  }
0x59: {  	[tilespmem:s17], [sflag:$0x2] =	stream.indirect_vreg.gather [hbm4b:s2+s3], $0x80, v4, vm0, $0xb8;
	[tilespmem:$0x18800] =	vst v63  }
0x5a: {  	s17 =	simm.s32 $0x7000  }
0x5b: {  	[tilespmem:s17], [sflag:$0x2] =	stream.indirect_vreg.gather [hbm4b:s6+s3], $0x80, v4, vm0, $0xb8;
	[tilespmem:$0x18800] =	vst v63  }
0x5c: {  	s17 =	simm.s32 $0x7800  }
0x5d: {  	[tilespmem:s17], [sflag:$0x2] =	stream.indirect_vreg.gather [hbm4b:s2+s3], $0x80, v3, vm0, $0xb8;
	[tilespmem:$0x18800] =	vst v63  }
0x5e: {  	s17 =	simm.s32 $0x8000  }
0x5f: {  	[tilespmem:s17], [sflag:$0x2] =	stream.indirect_vreg.gather [hbm4b:s6+s3], $0x80, v3, vm0, $0xb8;
	[tilespmem:$0x18800] =	vst v63  }
0x60: {  	v3 =	vld [tilespmem:$0x40];
	_ =	sdelay $0x4  }
0x61: {  	v56 =	vshll.u32 v3, $0x2  }
0x62: {  	v3 =	vand.u32 $0x7, v3;
	v4 =	vand.u32 $0xFFFFFFE0, v56  }
0x63: {  	v3 =	vor.u32 v3, v4  }
0x64: {  	v4 =	vperm.xlane v3, v0;
	_ =	sdelay $0x1  }
0x65: {  	v4 =	vadd.s32 v1, v4;
	_ =	sdelay $0x1  }
0x66: {  	v3 =	vperm.xlane v3, v2;
	_ =	sdelay $0x1  }
0x67: {  	v3 =	vadd.s32 v1, v3  }
0x68: {  	[tilespmem:s4], [sflag:$0x3] =	stream.indirect_vreg.gather [hbm4b:s2+s3], $0x80, v4, vm0, $0xb8;
	[tilespmem:$0x18800] =	vst v63  }
0x69: {  	s4 =	simm.s32 $0x9000  }
0x6a: {  	[tilespmem:s4], [sflag:$0x3] =	stream.indirect_vreg.gather [hbm4b:s6+s3], $0x80, v4, vm0, $0xb8;
	[tilespmem:$0x18800] =	vst v63  }
0x6b: {  	s17 =	simm.s32 $0x9800  }
0x6c: {  	[tilespmem:s17], [sflag:$0x3] =	stream.indirect_vreg.gather [hbm4b:s2+s3], $0x80, v3, vm0, $0xb8;
	[tilespmem:$0x18800] =	vst v63  }
0x6d: {  	s4 =	simm.s32 $0xA000  }
0x6e: {  	[tilespmem:s4], [sflag:$0x3] =	stream.indirect_vreg.gather [hbm4b:s6+s3], $0x80, v3, vm0, $0xb8;
	[tilespmem:$0x18800] =	vst v63  }
0x6f: {  	v3 =	vld [tilespmem:$0x50];
	_ =	sdelay $0x4  }
0x70: {  	v57 =	vshll.u32 v3, $0x2  }
0x71: {  	v3 =	vand.u32 $0x7, v3;
	v4 =	vand.u32 $0xFFFFFFE0, v57  }
0x72: {  	v3 =	vor.u32 v3, v4  }
0x73: {  	v4 =	vperm.xlane v3, v0;
	_ =	sdelay $0x1  }
0x74: {  	v4 =	vadd.s32 v1, v4;
	_ =	sdelay $0x1  }
0x75: {  	v3 =	vperm.xlane v3, v2;
	_ =	sdelay $0x1  }
0x76: {  	s17 =	simm.s32 $0xA800;
	v3 =	vadd.s32 v1, v3  }
0x77: {  	[tilespmem:s17], [sflag:$0x3] =	stream.indirect_vreg.gather [hbm4b:s2+s3], $0x80, v4, vm0, $0xb8;
	[tilespmem:$0x18800] =	vst v63  }
0x78: {  	s4 =	simm.s32 $0xB000  }
0x79: {  	[tilespmem:s4], [sflag:$0x3] =	stream.indirect_vreg.gather [hbm4b:s6+s3], $0x80, v4, vm0, $0xb8;
	[tilespmem:$0x18800] =	vst v63  }
0x7a: {  	s17 =	simm.s32 $0xB800  }
0x7b: {  	[tilespmem:s17], [sflag:$0x3] =	stream.indirect_vreg.gather [hbm4b:s2+s3], $0x80, v3, vm0, $0xb8;
	[tilespmem:$0x18800] =	vst v63  }
0x7c: {  	s4 =	simm.s32 $0xC000  }
0x7d: {  	[tilespmem:s4], [sflag:$0x3] =	stream.indirect_vreg.gather [hbm4b:s6+s3], $0x80, v3, vm0, $0xb8;
	[tilespmem:$0x18800] =	vst v63  }
0x7e: {  	v3 =	vld [tilespmem:$0x60];
	_ =	sdelay $0x4  }
0x7f: {  	v58 =	vshll.u32 v3, $0x2  }
0x80: {  	v3 =	vand.u32 $0x7, v3;
	v4 =	vand.u32 $0xFFFFFFE0, v58  }
0x81: {  	v3 =	vor.u32 v3, v4  }
0x82: {  	v4 =	vperm.xlane v3, v0;
	_ =	sdelay $0x1  }
0x83: {  	v4 =	vadd.s32 v1, v4;
	_ =	sdelay $0x1  }
0x84: {  	v3 =	vperm.xlane v3, v2;
	_ =	sdelay $0x1  }
0x85: {  	v3 =	vadd.s32 v1, v3  }
0x86: {  	[tilespmem:s15], [sflag:$0x4] =	stream.indirect_vreg.gather [hbm4b:s2+s3], $0x80, v4, vm0, $0xb8;
	[tilespmem:$0x18800] =	vst v63  }
0x87: {  	s17 =	simm.s32 $0xD000  }
0x88: {  	[tilespmem:s17], [sflag:$0x4] =	stream.indirect_vreg.gather [hbm4b:s6+s3], $0x80, v4, vm0, $0xb8;
	[tilespmem:$0x18800] =	vst v63  }
0x89: {  	s4 =	simm.s32 $0xD800  }
0x8a: {  	[tilespmem:s4], [sflag:$0x4] =	stream.indirect_vreg.gather [hbm4b:s2+s3], $0x80, v3, vm0, $0xb8;
	[tilespmem:$0x18800] =	vst v63  }
0x8b: {  	s15 =	simm.s32 $0xE000  }
0x8c: {  	[tilespmem:s15], [sflag:$0x4] =	stream.indirect_vreg.gather [hbm4b:s6+s3], $0x80, v3, vm0, $0xb8;
	[tilespmem:$0x18800] =	vst v63  }
0x8d: {  	v3 =	vld [tilespmem:$0x70];
	_ =	sdelay $0x4  }
0x8e: {  	v59 =	vshll.u32 v3, $0x2  }
0x8f: {  	v3 =	vand.u32 $0x7, v3;
	v4 =	vand.u32 $0xFFFFFFE0, v59  }
0x90: {  	v3 =	vor.u32 v3, v4  }
0x91: {  	v4 =	vperm.xlane v3, v0;
	_ =	sdelay $0x1  }
0x92: {  	v4 =	vadd.s32 v1, v4;
	_ =	sdelay $0x1  }
0x93: {  	v3 =	vperm.xlane v3, v2;
	_ =	sdelay $0x1  }
0x94: {  	s17 =	simm.s32 $0xE800;
	v3 =	vadd.s32 v1, v3  }
0x95: {  	[tilespmem:s17], [sflag:$0x4] =	stream.indirect_vreg.gather [hbm4b:s2+s3], $0x80, v4, vm0, $0xb8;
	[tilespmem:$0x18800] =	vst v63  }
0x96: {  	s4 =	simm.s32 $0xF000  }
0x97: {  	[tilespmem:s4], [sflag:$0x4] =	stream.indirect_vreg.gather [hbm4b:s6+s3], $0x80, v4, vm0, $0xb8;
	[tilespmem:$0x18800] =	vst v63  }
0x98: {  	s15 =	simm.s32 $0xF800  }
0x99: {  	[tilespmem:s15], [sflag:$0x4] =	stream.indirect_vreg.gather [hbm4b:s2+s3], $0x80, v3, vm0, $0xb8;
	[tilespmem:$0x18800] =	vst v63  }
0x9a: {  	s17 =	simm.s32 $0x10000  }
0x9b: {  	[tilespmem:s17], [sflag:$0x4] =	stream.indirect_vreg.gather [hbm4b:s6+s3], $0x80, v3, vm0, $0xb8;
	[tilespmem:$0x18800] =	vst v63  }
0x9c: {  	v3 =	vld [tilespmem:$0x80];
	_ =	sdelay $0x4  }
0x9d: {  	v60 =	vshll.u32 v3, $0x2  }
0x9e: {  	v3 =	vand.u32 $0x7, v3;
	v4 =	vand.u32 $0xFFFFFFE0, v60  }
0x9f: {  	v3 =	vor.u32 v3, v4  }
0xa0: {  	v4 =	vperm.xlane v3, v0;
	_ =	sdelay $0x1  }
0xa1: {  	v4 =	vadd.s32 v1, v4;
	_ =	sdelay $0x1  }
0xa2: {  	v3 =	vperm.xlane v3, v2;
	_ =	sdelay $0x1  }
0xa3: {  	v3 =	vadd.s32 v1, v3  }
0xa4: {  	[tilespmem:s25], [sflag:$0x5] =	stream.indirect_vreg.gather [hbm4b:s2+s3], $0x80, v4, vm0, $0xb8;
	[tilespmem:$0x18800] =	vst v63  }
0xa5: {  	_ = 	snop  }
0xa6: {  	[tilespmem:s18], [sflag:$0x5] =	stream.indirect_vreg.gather [hbm4b:s6+s3], $0x80, v4, vm0, $0xb8;
	[tilespmem:$0x18800] =	vst v63  }
0xa7: {  	_ = 	snop  }
0xa8: {  	[tilespmem:s30], [sflag:$0x5] =	stream.indirect_vreg.gather [hbm4b:s2+s3], $0x80, v3, vm0, $0xb8;
	[tilespmem:$0x18800] =	vst v63  }
0xa9: {  	_ = 	snop  }
0xaa: {  	[tilespmem:s21], [sflag:$0x5] =	stream.indirect_vreg.gather [hbm4b:s6+s3], $0x80, v3, vm0, $0xb8;
	[tilespmem:$0x18800] =	vst v63  }
0xab: {  	v3 =	vld [tilespmem:$0x90];
	_ =	sdelay $0x4  }
0xac: {  	v61 =	vshll.u32 v3, $0x2  }
0xad: {  	v3 =	vand.u32 $0x7, v3;
	v4 =	vand.u32 $0xFFFFFFE0, v61  }
0xae: {  	v3 =	vor.u32 v3, v4  }
0xaf: {  	v4 =	vperm.xlane v3, v0;
	_ =	sdelay $0x1  }
0xb0: {  	v4 =	vadd.s32 v1, v4;
	_ =	sdelay $0x1  }
0xb1: {  	v3 =	vperm.xlane v3, v2;
	_ =	sdelay $0x1  }
0xb2: {  	v3 =	vadd.s32 v1, v3  }
0xb3: {  	[tilespmem:s9], [sflag:$0x5] =	stream.indirect_vreg.gather [hbm4b:s2+s3], $0x80, v4, vm0, $0xb8;
	[tilespmem:$0x18800] =	vst v63  }
0xb4: {  	_ = 	snop  }
0xb5: {  	[tilespmem:s22], [sflag:$0x5] =	stream.indirect_vreg.gather [hbm4b:s6+s3], $0x80, v4, vm0, $0xb8;
	[tilespmem:$0x18800] =	vst v63  }
0xb6: {  	_ = 	snop  }
0xb7: {  	[tilespmem:s23], [sflag:$0x5] =	stream.indirect_vreg.gather [hbm4b:s2+s3], $0x80, v3, vm0, $0xb8;
	[tilespmem:$0x18800] =	vst v63  }
0xb8: {  	_ = 	snop  }
0xb9: {  	[tilespmem:s24], [sflag:$0x5] =	stream.indirect_vreg.gather [hbm4b:s6+s3], $0x80, v3, vm0, $0xb8;
	[tilespmem:$0x18800] =	vst v63  }
0xba: {  	v3 =	vld [tilespmem:$0xA0];
	_ =	sdelay $0x4  }
0xbb: {  	v62 =	vshll.u32 v3, $0x2  }
0xbc: {  	v3 =	vand.u32 $0x7, v3;
	v4 =	vand.u32 $0xFFFFFFE0, v62  }
0xbd: {  	v3 =	vor.u32 v3, v4  }
0xbe: {  	v4 =	vperm.xlane v3, v0;
	_ =	sdelay $0x1  }
0xbf: {  	v4 =	vadd.s32 v1, v4;
	_ =	sdelay $0x1  }
0xc0: {  	v3 =	vperm.xlane v3, v2;
	_ =	sdelay $0x1  }
0xc1: {  	v3 =	vadd.s32 v1, v3  }
0xc2: {  	[tilespmem:s7], [sflag:$0x6] =	stream.indirect_vreg.gather [hbm4b:s2+s3], $0x80, v4, vm0, $0xb8;
	[tilespmem:$0x18800] =	vst v63  }
0xc3: {  	_ = 	snop  }
0xc4: {  	[tilespmem:s20], [sflag:$0x6] =	stream.indirect_vreg.gather [hbm4b:s6+s3], $0x80, v4, vm0, $0xb8;
	[tilespmem:$0x18800] =	vst v63  }
0xc5: {  	s23 =	simm.s32 $0x15800  }
0xc6: {  	[tilespmem:s23], [sflag:$0x6] =	stream.indirect_vreg.gather [hbm4b:s2+s3], $0x80, v3, vm0, $0xb8;
	[tilespmem:$0x18800] =	vst v63  }
0xc7: {  	s24 =	simm.s32 $0x16000  }
0xc8: {  	[tilespmem:s24], [sflag:$0x6] =	stream.indirect_vreg.gather [hbm4b:s6+s3], $0x80, v3, vm0, $0xb8;
	[tilespmem:$0x18800] =	vst v63  }
0xc9: {  	v3 =	vld [tilespmem:$0xB0];
	_ =	sdelay $0x4  }
0xca: {  	v63 =	vshll.u32 v3, $0x2  }
0xcb: {  	v3 =	vand.u32 $0x7, v3;
	v4 =	vand.u32 $0xFFFFFFE0, v63  }
0xcc: {  	v3 =	vor.u32 v3, v4  }
0xcd: {  	v4 =	vperm.xlane v3, v0;
	_ =	sdelay $0x1  }
0xce: {  	v4 =	vadd.s32 v1, v4;
	_ =	sdelay $0x1  }
0xcf: {  	v3 =	vperm.xlane v3, v2;
	_ =	sdelay $0x1  }
0xd0: {  	s29 =	simm.s32 $0x16800;
	v3 =	vadd.s32 v1, v3  }
0xd1: {  	[tilespmem:s29], [sflag:$0x6] =	stream.indirect_vreg.gather [hbm4b:s2+s3], $0x80, v4, vm0, $0xb8;
	[tilespmem:$0x18800] =	vst v63  }
0xd2: {  	s4 =	simm.s32 $0x17000  }
0xd3: {  	[tilespmem:s4], [sflag:$0x6] =	stream.indirect_vreg.gather [hbm4b:s6+s3], $0x80, v4, vm0, $0xb8;
	[tilespmem:$0x18800] =	vst v63  }
0xd4: {  	s21 =	simm.s32 $0x17800  }
0xd5: {  	[tilespmem:s21], [sflag:$0x6] =	stream.indirect_vreg.gather [hbm4b:s2+s3], $0x80, v3, vm0, $0xb8;
	[tilespmem:$0x18800] =	vst v63  }
0xd6: {  	s31 =	simm.s32 $0x18000;
	s17 =	simm.s32 $0x0;
	s25 =	simm.s32 $0xD  }
0xd7: {  	[tilespmem:s31], [sflag:$0x6] =	stream.indirect_vreg.gather [hbm4b:s6+s3], $0x80, v3, vm0, $0xb8;
	[tilespmem:$0x18800] =	vst v63  }
0xd8: {  	s30 =	simm.s32 $0x170;
	s9 =	simm.s32 $0x12800;
	_ =	swait.ge [sflag:s25], $0x740  }
0xd9: {  	s22 =	simm.s32 $0x13000;
	s20 =	simm.s32 $0x15000;
	[sflag:s25] =	ssyncset.done $0x0  }
0xda: {  	s23 =	simm.s32 $0x13800;
	s24 =	simm.s32 $0x14000;
	[sflag:s25] =	ssyncadd.s32 $0xFFFFF8C0  }
.LBB2_2:
0xdb: {  	_ =	swait.ge [sflag:s0], $0x4000  }
0xdc: {  	s8 =	rddreg [dreg:$0x4];
	[sflag:s0] =	ssyncset.done $0x0  }
0xdd: {  	s18 =	simm.s32 $0x800;
	[sflag:s0] =	ssyncadd.s32 $0xFFFFC000;
	s8 =	sadd.s32 s17, s8  }
0xde: {  	[hbm4b:s8+s3] =	stream.linear.scatter [tilespmem:s18], [sflag:$0x7], $0x4000, $0x38;
	[tilespmem:$0x18800] =	vst v63  }
0xdf: {  	_ =	swait.ge [sflag:s10], $0x4000  }
0xe0: {  	[sflag:s10] =	ssyncset.done $0x0  }
0xe1: {  	[sflag:s10] =	ssyncadd.s32 $0xFFFFC000  }
0xe2: {  	v3 =	vld [tilespmem:s30+$0xFFFFFF50];
	_ =	sdelay $0x4  }
0xe3: {  	v4 =	vshll.u32 v3, $0x2  }
0xe4: {  	v3 =	vand.u32 $0x7, v3;
	v4 =	vand.u32 $0xFFFFFFE0, v4  }
0xe5: {  	v3 =	vor.u32 v3, v4  }
0xe6: {  	v4 =	vperm.xlane v3, v0;
	_ =	sdelay $0x1  }
0xe7: {  	v4 =	vadd.s32 v1, v4;
	_ =	sdelay $0x1  }
0xe8: {  	v3 =	vperm.xlane v3, v2;
	_ =	sdelay $0x1  }
0xe9: {  	v3 =	vadd.s32 v1, v3  }
0xea: {  	[tilespmem:s18], [sflag:$0x1] =	stream.indirect_vreg.gather [hbm4b:s2+s3], $0x80, v4, vm0, $0xb8;
	[tilespmem:$0x18800] =	vst v63  }
0xeb: {  	s7 =	simm.s32 $0x1000  }
0xec: {  	[tilespmem:s7], [sflag:$0x1] =	stream.indirect_vreg.gather [hbm4b:s6+s3], $0x80, v4, vm0, $0xb8;
	[tilespmem:$0x18800] =	vst v63  }
0xed: {  	s15 =	simm.s32 $0x1800  }
0xee: {  	[tilespmem:s15], [sflag:$0x1] =	stream.indirect_vreg.gather [hbm4b:s2+s3], $0x80, v3, vm0, $0xb8;
	[tilespmem:$0x18800] =	vst v63  }
0xef: {  	s25 =	simm.s32 $0x2000  }
0xf0: {  	[tilespmem:s25], [sflag:$0x1] =	stream.indirect_vreg.gather [hbm4b:s6+s3], $0x80, v3, vm0, $0xb8;
	[tilespmem:$0x18800] =	vst v63  }
0xf1: {  	v3 =	vld [tilespmem:s30+$0xFFFFFF60];
	_ =	sdelay $0x4  }
0xf2: {  	v53 =	vshll.u32 v3, $0x2  }
0xf3: {  	v3 =	vand.u32 $0x7, v3;
	v4 =	vand.u32 $0xFFFFFFE0, v53  }
0xf4: {  	v3 =	vor.u32 v3, v4  }
0xf5: {  	v4 =	vperm.xlane v3, v0;
	_ =	sdelay $0x1  }
0xf6: {  	v4 =	vadd.s32 v1, v4;
	_ =	sdelay $0x1  }
0xf7: {  	v3 =	vperm.xlane v3, v2;
	_ =	sdelay $0x1  }
0xf8: {  	s7 =	simm.s32 $0x2800;
	v3 =	vadd.s32 v1, v3  }
0xf9: {  	[tilespmem:s7], [sflag:$0x1] =	stream.indirect_vreg.gather [hbm4b:s2+s3], $0x80, v4, vm0, $0xb8;
	[tilespmem:$0x18800] =	vst v63  }
0xfa: {  	s15 =	simm.s32 $0x3000  }
0xfb: {  	[tilespmem:s15], [sflag:$0x1] =	stream.indirect_vreg.gather [hbm4b:s6+s3], $0x80, v4, vm0, $0xb8;
	[tilespmem:$0x18800] =	vst v63  }
0xfc: {  	s25 =	simm.s32 $0x3800  }
0xfd: {  	[tilespmem:s25], [sflag:$0x1] =	stream.indirect_vreg.gather [hbm4b:s2+s3], $0x80, v3, vm0, $0xb8;
	[tilespmem:$0x18800] =	vst v63  }
0xfe: {  	s7 =	simm.s32 $0x4000  }
0xff: {  	[tilespmem:s7], [sflag:$0x1] =	stream.indirect_vreg.gather [hbm4b:s6+s3], $0x80, v3, vm0, $0xb8;
	[tilespmem:$0x18800] =	vst v63  }
0x100: {  	_ =	swait.ge [sflag:s1], $0x4000  }
0x101: {  	[sflag:s1] =	ssyncset.done $0x0  }
0x102: {  	s15 =	sadd.s32 $0x800, s8;
	s25 =	simm.s32 $0x4800;
	[sflag:s1] =	ssyncadd.s32 $0xFFFFC000  }
0x103: {  	[hbm4b:s15+s3] =	stream.linear.scatter [tilespmem:s25], [sflag:$0x8], $0x4000, $0x38;
	[tilespmem:$0x18800] =	vst v63  }
0x104: {  	_ =	swait.ge [sflag:s11], $0x4000  }
0x105: {  	[sflag:s11] =	ssyncset.done $0x0  }
0x106: {  	[sflag:s11] =	ssyncadd.s32 $0xFFFFC000  }
0x107: {  	v3 =	vld [tilespmem:s30+$0xFFFFFF70];
	_ =	sdelay $0x4  }
0x108: {  	v54 =	vshll.u32 v3, $0x2  }
0x109: {  	v3 =	vand.u32 $0x7, v3;
	v4 =	vand.u32 $0xFFFFFFE0, v54  }
0x10a: {  	v3 =	vor.u32 v3, v4  }
0x10b: {  	v4 =	vperm.xlane v3, v0;
	_ =	sdelay $0x1  }
0x10c: {  	v4 =	vadd.s32 v1, v4;
	_ =	sdelay $0x1  }
0x10d: {  	v3 =	vperm.xlane v3, v2;
	_ =	sdelay $0x1  }
0x10e: {  	v3 =	vadd.s32 v1, v3  }
0x10f: {  	[tilespmem:s25], [sflag:$0x2] =	stream.indirect_vreg.gather [hbm4b:s2+s3], $0x80, v4, vm0, $0xb8;
	[tilespmem:$0x18800] =	vst v63  }
0x110: {  	s7 =	simm.s32 $0x5000  }
0x111: {  	[tilespmem:s7], [sflag:$0x2] =	stream.indirect_vreg.gather [hbm4b:s6+s3], $0x80, v4, vm0, $0xb8;
	[tilespmem:$0x18800] =	vst v63  }
0x112: {  	s15 =	simm.s32 $0x5800  }
0x113: {  	[tilespmem:s15], [sflag:$0x2] =	stream.indirect_vreg.gather [hbm4b:s2+s3], $0x80, v3, vm0, $0xb8;
	[tilespmem:$0x18800] =	vst v63  }
0x114: {  	s25 =	simm.s32 $0x6000  }
0x115: {  	[tilespmem:s25], [sflag:$0x2] =	stream.indirect_vreg.gather [hbm4b:s6+s3], $0x80, v3, vm0, $0xb8;
	[tilespmem:$0x18800] =	vst v63  }
0x116: {  	v3 =	vld [tilespmem:s30+$0xFFFFFF80];
	_ =	sdelay $0x4  }
0x117: {  	v55 =	vshll.u32 v3, $0x2  }
0x118: {  	v3 =	vand.u32 $0x7, v3;
	v4 =	vand.u32 $0xFFFFFFE0, v55  }
0x119: {  	v3 =	vor.u32 v3, v4  }
0x11a: {  	v4 =	vperm.xlane v3, v0;
	_ =	sdelay $0x1  }
0x11b: {  	v4 =	vadd.s32 v1, v4;
	_ =	sdelay $0x1  }
0x11c: {  	v3 =	vperm.xlane v3, v2;
	_ =	sdelay $0x1  }
0x11d: {  	s7 =	simm.s32 $0x6800;
	v3 =	vadd.s32 v1, v3  }
0x11e: {  	[tilespmem:s7], [sflag:$0x2] =	stream.indirect_vreg.gather [hbm4b:s2+s3], $0x80, v4, vm0, $0xb8;
	[tilespmem:$0x18800] =	vst v63  }
0x11f: {  	s15 =	simm.s32 $0x7000  }
0x120: {  	[tilespmem:s15], [sflag:$0x2] =	stream.indirect_vreg.gather [hbm4b:s6+s3], $0x80, v4, vm0, $0xb8;
	[tilespmem:$0x18800] =	vst v63  }
0x121: {  	s25 =	simm.s32 $0x7800  }
0x122: {  	[tilespmem:s25], [sflag:$0x2] =	stream.indirect_vreg.gather [hbm4b:s2+s3], $0x80, v3, vm0, $0xb8;
	[tilespmem:$0x18800] =	vst v63  }
0x123: {  	s7 =	simm.s32 $0x8000  }
0x124: {  	[tilespmem:s7], [sflag:$0x2] =	stream.indirect_vreg.gather [hbm4b:s6+s3], $0x80, v3, vm0, $0xb8;
	[tilespmem:$0x18800] =	vst v63  }
0x125: {  	_ =	swait.ge [sflag:s19], $0x4000  }
0x126: {  	[sflag:s19] =	ssyncset.done $0x0  }
0x127: {  	s15 =	sadd.s32 $0x1000, s8;
	s7 =	simm.s32 $0x8800;
	[sflag:s19] =	ssyncadd.s32 $0xFFFFC000  }
0x128: {  	[hbm4b:s15+s3] =	stream.linear.scatter [tilespmem:s7], [sflag:$0x9], $0x4000, $0x38;
	[tilespmem:$0x18800] =	vst v63  }
0x129: {  	_ =	swait.ge [sflag:s12], $0x4000  }
0x12a: {  	[sflag:s12] =	ssyncset.done $0x0  }
0x12b: {  	[sflag:s12] =	ssyncadd.s32 $0xFFFFC000  }
0x12c: {  	v3 =	vld [tilespmem:s30+$0xFFFFFF90];
	_ =	sdelay $0x4  }
0x12d: {  	v56 =	vshll.u32 v3, $0x2  }
0x12e: {  	v3 =	vand.u32 $0x7, v3;
	v4 =	vand.u32 $0xFFFFFFE0, v56  }
0x12f: {  	v3 =	vor.u32 v3, v4  }
0x130: {  	v4 =	vperm.xlane v3, v0;
	_ =	sdelay $0x1  }
0x131: {  	v4 =	vadd.s32 v1, v4;
	_ =	sdelay $0x1  }
0x132: {  	v3 =	vperm.xlane v3, v2;
	_ =	sdelay $0x1  }
0x133: {  	v3 =	vadd.s32 v1, v3  }
0x134: {  	[tilespmem:s7], [sflag:$0x3] =	stream.indirect_vreg.gather [hbm4b:s2+s3], $0x80, v4, vm0, $0xb8;
	[tilespmem:$0x18800] =	vst v63  }
0x135: {  	s25 =	simm.s32 $0x9000  }
0x136: {  	[tilespmem:s25], [sflag:$0x3] =	stream.indirect_vreg.gather [hbm4b:s6+s3], $0x80, v4, vm0, $0xb8;
	[tilespmem:$0x18800] =	vst v63  }
0x137: {  	s7 =	simm.s32 $0x9800  }
0x138: {  	[tilespmem:s7], [sflag:$0x3] =	stream.indirect_vreg.gather [hbm4b:s2+s3], $0x80, v3, vm0, $0xb8;
	[tilespmem:$0x18800] =	vst v63  }
0x139: {  	s15 =	simm.s32 $0xA000  }
0x13a: {  	[tilespmem:s15], [sflag:$0x3] =	stream.indirect_vreg.gather [hbm4b:s6+s3], $0x80, v3, vm0, $0xb8;
	[tilespmem:$0x18800] =	vst v63  }
0x13b: {  	v3 =	vld [tilespmem:s30+$0xFFFFFFA0];
	_ =	sdelay $0x4  }
0x13c: {  	v57 =	vshll.u32 v3, $0x2  }
0x13d: {  	v3 =	vand.u32 $0x7, v3;
	v4 =	vand.u32 $0xFFFFFFE0, v57  }
0x13e: {  	v3 =	vor.u32 v3, v4  }
0x13f: {  	v4 =	vperm.xlane v3, v0;
	_ =	sdelay $0x1  }
0x140: {  	v4 =	vadd.s32 v1, v4;
	_ =	sdelay $0x1  }
0x141: {  	v3 =	vperm.xlane v3, v2;
	_ =	sdelay $0x1  }
0x142: {  	s25 =	simm.s32 $0xA800;
	v3 =	vadd.s32 v1, v3  }
0x143: {  	[tilespmem:s25], [sflag:$0x3] =	stream.indirect_vreg.gather [hbm4b:s2+s3], $0x80, v4, vm0, $0xb8;
	[tilespmem:$0x18800] =	vst v63  }
0x144: {  	s7 =	simm.s32 $0xB000  }
0x145: {  	[tilespmem:s7], [sflag:$0x3] =	stream.indirect_vreg.gather [hbm4b:s6+s3], $0x80, v4, vm0, $0xb8;
	[tilespmem:$0x18800] =	vst v63  }
0x146: {  	s15 =	simm.s32 $0xB800  }
0x147: {  	[tilespmem:s15], [sflag:$0x3] =	stream.indirect_vreg.gather [hbm4b:s2+s3], $0x80, v3, vm0, $0xb8;
	[tilespmem:$0x18800] =	vst v63  }
0x148: {  	s25 =	simm.s32 $0xC000  }
0x149: {  	[tilespmem:s25], [sflag:$0x3] =	stream.indirect_vreg.gather [hbm4b:s6+s3], $0x80, v3, vm0, $0xb8;
	[tilespmem:$0x18800] =	vst v63  }
0x14a: {  	_ =	swait.ge [sflag:s13], $0x4000  }
0x14b: {  	[sflag:s13] =	ssyncset.done $0x0  }
0x14c: {  	s7 =	sadd.s32 $0x1800, s8;
	s15 =	simm.s32 $0xC800;
	[sflag:s13] =	ssyncadd.s32 $0xFFFFC000  }
0x14d: {  	[hbm4b:s7+s3] =	stream.linear.scatter [tilespmem:s15], [sflag:$0xA], $0x4000, $0x38;
	[tilespmem:$0x18800] =	vst v63  }
0x14e: {  	_ =	swait.ge [sflag:s26], $0x4000  }
0x14f: {  	[sflag:s26] =	ssyncset.done $0x0  }
0x150: {  	[sflag:s26] =	ssyncadd.s32 $0xFFFFC000  }
0x151: {  	v3 =	vld [tilespmem:s30+$0xFFFFFFB0];
	_ =	sdelay $0x4  }
0x152: {  	v58 =	vshll.u32 v3, $0x2  }
0x153: {  	v3 =	vand.u32 $0x7, v3;
	v4 =	vand.u32 $0xFFFFFFE0, v58  }
0x154: {  	v3 =	vor.u32 v3, v4  }
0x155: {  	v4 =	vperm.xlane v3, v0;
	_ =	sdelay $0x1  }
0x156: {  	v4 =	vadd.s32 v1, v4;
	_ =	sdelay $0x1  }
0x157: {  	v3 =	vperm.xlane v3, v2;
	_ =	sdelay $0x1  }
0x158: {  	v3 =	vadd.s32 v1, v3  }
0x159: {  	[tilespmem:s15], [sflag:$0x4] =	stream.indirect_vreg.gather [hbm4b:s2+s3], $0x80, v4, vm0, $0xb8;
	[tilespmem:$0x18800] =	vst v63  }
0x15a: {  	s25 =	simm.s32 $0xD000  }
0x15b: {  	[tilespmem:s25], [sflag:$0x4] =	stream.indirect_vreg.gather [hbm4b:s6+s3], $0x80, v4, vm0, $0xb8;
	[tilespmem:$0x18800] =	vst v63  }
0x15c: {  	s7 =	simm.s32 $0xD800  }
0x15d: {  	[tilespmem:s7], [sflag:$0x4] =	stream.indirect_vreg.gather [hbm4b:s2+s3], $0x80, v3, vm0, $0xb8;
	[tilespmem:$0x18800] =	vst v63  }
0x15e: {  	s15 =	simm.s32 $0xE000  }
0x15f: {  	[tilespmem:s15], [sflag:$0x4] =	stream.indirect_vreg.gather [hbm4b:s6+s3], $0x80, v3, vm0, $0xb8;
	[tilespmem:$0x18800] =	vst v63  }
0x160: {  	v3 =	vld [tilespmem:s30+$0xFFFFFFC0];
	_ =	sdelay $0x4  }
0x161: {  	v59 =	vshll.u32 v3, $0x2  }
0x162: {  	v3 =	vand.u32 $0x7, v3;
	v4 =	vand.u32 $0xFFFFFFE0, v59  }
0x163: {  	v3 =	vor.u32 v3, v4  }
0x164: {  	v4 =	vperm.xlane v3, v0;
	_ =	sdelay $0x1  }
0x165: {  	v4 =	vadd.s32 v1, v4;
	_ =	sdelay $0x1  }
0x166: {  	v3 =	vperm.xlane v3, v2;
	_ =	sdelay $0x1  }
0x167: {  	s25 =	simm.s32 $0xE800;
	v3 =	vadd.s32 v1, v3  }
0x168: {  	[tilespmem:s25], [sflag:$0x4] =	stream.indirect_vreg.gather [hbm4b:s2+s3], $0x80, v4, vm0, $0xb8;
	[tilespmem:$0x18800] =	vst v63  }
0x169: {  	s7 =	simm.s32 $0xF000  }
0x16a: {  	[tilespmem:s7], [sflag:$0x4] =	stream.indirect_vreg.gather [hbm4b:s6+s3], $0x80, v4, vm0, $0xb8;
	[tilespmem:$0x18800] =	vst v63  }
0x16b: {  	s15 =	simm.s32 $0xF800  }
0x16c: {  	[tilespmem:s15], [sflag:$0x4] =	stream.indirect_vreg.gather [hbm4b:s2+s3], $0x80, v3, vm0, $0xb8;
	[tilespmem:$0x18800] =	vst v63  }
0x16d: {  	s25 =	simm.s32 $0x10000  }
0x16e: {  	[tilespmem:s25], [sflag:$0x4] =	stream.indirect_vreg.gather [hbm4b:s6+s3], $0x80, v3, vm0, $0xb8;
	[tilespmem:$0x18800] =	vst v63  }
0x16f: {  	_ =	swait.ge [sflag:s14], $0x4000  }
0x170: {  	[sflag:s14] =	ssyncset.done $0x0  }
0x171: {  	s7 =	sadd.s32 $0x2000, s8;
	s15 =	simm.s32 $0x10800;
	[sflag:s14] =	ssyncadd.s32 $0xFFFFC000  }
0x172: {  	[hbm4b:s7+s3] =	stream.linear.scatter [tilespmem:s15], [sflag:$0xB], $0x4000, $0x38;
	[tilespmem:$0x18800] =	vst v63  }
0x173: {  	_ =	swait.ge [sflag:s5], $0x4000  }
0x174: {  	[sflag:s5] =	ssyncset.done $0x0  }
0x175: {  	[sflag:s5] =	ssyncadd.s32 $0xFFFFC000  }
0x176: {  	v3 =	vld [tilespmem:s30+$0xFFFFFFD0];
	_ =	sdelay $0x4  }
0x177: {  	v60 =	vshll.u32 v3, $0x2  }
0x178: {  	v3 =	vand.u32 $0x7, v3;
	v4 =	vand.u32 $0xFFFFFFE0, v60  }
0x179: {  	v3 =	vor.u32 v3, v4  }
0x17a: {  	v4 =	vperm.xlane v3, v0;
	_ =	sdelay $0x1  }
0x17b: {  	v4 =	vadd.s32 v1, v4;
	_ =	sdelay $0x1  }
0x17c: {  	v3 =	vperm.xlane v3, v2;
	_ =	sdelay $0x1  }
0x17d: {  	v3 =	vadd.s32 v1, v3  }
0x17e: {  	[tilespmem:s15], [sflag:$0x5] =	stream.indirect_vreg.gather [hbm4b:s2+s3], $0x80, v4, vm0, $0xb8;
	[tilespmem:$0x18800] =	vst v63  }
0x17f: {  	s18 =	simm.s32 $0x11000  }
0x180: {  	[tilespmem:s18], [sflag:$0x5] =	stream.indirect_vreg.gather [hbm4b:s6+s3], $0x80, v4, vm0, $0xb8;
	[tilespmem:$0x18800] =	vst v63  }
0x181: {  	s15 =	simm.s32 $0x11800  }
0x182: {  	[tilespmem:s15], [sflag:$0x5] =	stream.indirect_vreg.gather [hbm4b:s2+s3], $0x80, v3, vm0, $0xb8;
	[tilespmem:$0x18800] =	vst v63  }
0x183: {  	s15 =	simm.s32 $0x12000  }
0x184: {  	[tilespmem:s15], [sflag:$0x5] =	stream.indirect_vreg.gather [hbm4b:s6+s3], $0x80, v3, vm0, $0xb8;
	[tilespmem:$0x18800] =	vst v63  }
0x185: {  	v3 =	vld [tilespmem:s30+$0xFFFFFFE0];
	_ =	sdelay $0x4  }
0x186: {  	v61 =	vshll.u32 v3, $0x2  }
0x187: {  	v3 =	vand.u32 $0x7, v3;
	v4 =	vand.u32 $0xFFFFFFE0, v61  }
0x188: {  	v3 =	vor.u32 v3, v4  }
0x189: {  	v4 =	vperm.xlane v3, v0;
	_ =	sdelay $0x1  }
0x18a: {  	v4 =	vadd.s32 v1, v4;
	_ =	sdelay $0x1  }
0x18b: {  	v3 =	vperm.xlane v3, v2;
	_ =	sdelay $0x1  }
0x18c: {  	v3 =	vadd.s32 v1, v3  }
0x18d: {  	[tilespmem:s9], [sflag:$0x5] =	stream.indirect_vreg.gather [hbm4b:s2+s3], $0x80, v4, vm0, $0xb8;
	[tilespmem:$0x18800] =	vst v63  }
0x18e: {  	_ = 	snop  }
0x18f: {  	[tilespmem:s22], [sflag:$0x5] =	stream.indirect_vreg.gather [hbm4b:s6+s3], $0x80, v4, vm0, $0xb8;
	[tilespmem:$0x18800] =	vst v63  }
0x190: {  	_ = 	snop  }
0x191: {  	[tilespmem:s23], [sflag:$0x5] =	stream.indirect_vreg.gather [hbm4b:s2+s3], $0x80, v3, vm0, $0xb8;
	[tilespmem:$0x18800] =	vst v63  }
0x192: {  	_ = 	snop  }
0x193: {  	[tilespmem:s24], [sflag:$0x5] =	stream.indirect_vreg.gather [hbm4b:s6+s3], $0x80, v3, vm0, $0xb8;
	[tilespmem:$0x18800] =	vst v63  }
0x194: {  	_ =	swait.ge [sflag:s28], $0x4000  }
0x195: {  	[sflag:s28] =	ssyncset.done $0x0  }
0x196: {  	s8 =	sadd.s32 $0x2800, s8;
	s15 =	simm.s32 $0x14800;
	[sflag:s28] =	ssyncadd.s32 $0xFFFFC000  }
0x197: {  	[hbm4b:s8+s3] =	stream.linear.scatter [tilespmem:s15], [sflag:$0xC], $0x4000, $0x38;
	[tilespmem:$0x18800] =	vst v63  }
0x198: {  	_ =	swait.ge [sflag:s16], $0x4000  }
0x199: {  	[sflag:s16] =	ssyncset.done $0x0  }
0x19a: {  	[sflag:s16] =	ssyncadd.s32 $0xFFFFC000  }
0x19b: {  	v3 =	vld [tilespmem:s30+$0xFFFFFFF0];
	_ =	sdelay $0x4  }
0x19c: {  	v62 =	vshll.u32 v3, $0x2  }
0x19d: {  	v3 =	vand.u32 $0x7, v3;
	v4 =	vand.u32 $0xFFFFFFE0, v62  }
0x19e: {  	v3 =	vor.u32 v3, v4  }
0x19f: {  	v4 =	vperm.xlane v3, v0;
	_ =	sdelay $0x1  }
0x1a0: {  	v4 =	vadd.s32 v1, v4;
	_ =	sdelay $0x1  }
0x1a1: {  	v3 =	vperm.xlane v3, v2;
	_ =	sdelay $0x1  }
0x1a2: {  	v3 =	vadd.s32 v1, v3  }
0x1a3: {  	[tilespmem:s15], [sflag:$0x6] =	stream.indirect_vreg.gather [hbm4b:s2+s3], $0x80, v4, vm0, $0xb8;
	[tilespmem:$0x18800] =	vst v63  }
0x1a4: {  	_ = 	snop  }
0x1a5: {  	[tilespmem:s20], [sflag:$0x6] =	stream.indirect_vreg.gather [hbm4b:s6+s3], $0x80, v4, vm0, $0xb8;
	[tilespmem:$0x18800] =	vst v63  }
0x1a6: {  	s15 =	simm.s32 $0x15800  }
0x1a7: {  	[tilespmem:s15], [sflag:$0x6] =	stream.indirect_vreg.gather [hbm4b:s2+s3], $0x80, v3, vm0, $0xb8;
	[tilespmem:$0x18800] =	vst v63  }
0x1a8: {  	s15 =	simm.s32 $0x16000  }
0x1a9: {  	[tilespmem:s15], [sflag:$0x6] =	stream.indirect_vreg.gather [hbm4b:s6+s3], $0x80, v3, vm0, $0xb8;
	[tilespmem:$0x18800] =	vst v63  }
0x1aa: {  	v3 =	vld [tilespmem:s30+$0x0];
	_ =	sdelay $0x4  }
0x1ab: {  	v63 =	vshll.u32 v3, $0x2  }
0x1ac: {  	v3 =	vand.u32 $0x7, v3;
	v4 =	vand.u32 $0xFFFFFFE0, v63  }
0x1ad: {  	v3 =	vor.u32 v3, v4  }
0x1ae: {  	v4 =	vperm.xlane v3, v0;
	_ =	sdelay $0x1  }
0x1af: {  	v4 =	vadd.s32 v1, v4;
	_ =	sdelay $0x2  }
0x1b0: {  	v3 =	vperm.xlane v3, v2;
	_ =	sdelay $0x1  }
0x1b1: {  	v3 =	vadd.s32 v1, v3;
	[tilespmem:s29], [sflag:$0x6] =	stream.indirect_vreg.gather [hbm4b:s2+s3], $0x80, v4, vm0, $0xb8;
	[tilespmem:$0x18800] =	vst v63  }
0x1b2: {  	p0 =	sne.s32 s17, $0x18000  }
0x1b3: {  	[tilespmem:s4], [sflag:$0x6] =	stream.indirect_vreg.gather [hbm4b:s6+s3], $0x80, v4, vm0, $0xb8;
	[tilespmem:$0x18800] =	vst v63  }
.Ltmp0:
0x1b4: {  	_ = 	snop;
	(pc) =	sbr.rel @p0 .LBB2_2-.Ltmp0, $4  }
0x1b5: {  	s17 =	sadd.s32 $0x3000, s17  }
0x1b6: {  	[tilespmem:s21], [sflag:$0x6] =	stream.indirect_vreg.gather [hbm4b:s2+s3], $0x80, v3, vm0, $0xb8;
	[tilespmem:$0x18800] =	vst v63  }
0x1b7: {  	s25 =	simm.s32 $0x10800;
	s7 =	simm.s32 $0x14800;
	s30 =	sadd.s32 $0xC0, s30  }
0x1b8: {  	[tilespmem:s31], [sflag:$0x6] =	stream.indirect_vreg.gather [hbm4b:s6+s3], $0x80, v3, vm0, $0xb8;
	[tilespmem:$0x18800] =	vst v63  }
0x1b9: {  	_ =	swait.ge [sflag:s0], $0x4000  }
0x1ba: {  	[sflag:s0] =	ssyncset.done $0x0  }
0x1bb: {  	s9 =	simm.s32 $0x800;
	s8 =	rddreg [dreg:$0x7];
	[sflag:s0] =	ssyncadd.s32 $0xFFFFC000  }
0x1bc: {  	[hbm4b:s8+s3] =	stream.linear.scatter [tilespmem:s9], [sflag:$0x7], $0x4000, $0x38;
	[tilespmem:$0x18800] =	vst v63  }
0x1bd: {  	_ =	swait.ge [sflag:s10], $0x4000  }
0x1be: {  	[sflag:s10] =	ssyncset.done $0x0  }
0x1bf: {  	[sflag:s10] =	ssyncadd.s32 $0xFFFFC000  }
0x1c0: {  	v3 =	vld [tilespmem:$0x780];
	_ =	sdelay $0x4  }
0x1c1: {  	v4 =	vshll.u32 v3, $0x2  }
0x1c2: {  	v3 =	vand.u32 $0x7, v3;
	v4 =	vand.u32 $0xFFFFFFE0, v4  }
0x1c3: {  	v3 =	vor.u32 v3, v4  }
0x1c4: {  	v4 =	vperm.xlane v3, v0;
	_ =	sdelay $0x1  }
0x1c5: {  	v4 =	vadd.s32 v1, v4;
	_ =	sdelay $0x1  }
0x1c6: {  	v3 =	vperm.xlane v3, v2;
	_ =	sdelay $0x1  }
0x1c7: {  	v3 =	vadd.s32 v1, v3  }
0x1c8: {  	[tilespmem:s9], [sflag:$0x1] =	stream.indirect_vreg.gather [hbm4b:s2+s3], $0x80, v4, vm0, $0xb8;
	[tilespmem:$0x18800] =	vst v63  }
0x1c9: {  	s23 =	simm.s32 $0x1000  }
0x1ca: {  	[tilespmem:s23], [sflag:$0x1] =	stream.indirect_vreg.gather [hbm4b:s6+s3], $0x80, v4, vm0, $0xb8;
	[tilespmem:$0x18800] =	vst v63  }
0x1cb: {  	s24 =	simm.s32 $0x1800  }
0x1cc: {  	[tilespmem:s24], [sflag:$0x1] =	stream.indirect_vreg.gather [hbm4b:s2+s3], $0x80, v3, vm0, $0xb8;
	[tilespmem:$0x18800] =	vst v63  }
0x1cd: {  	s4 =	simm.s32 $0x2000  }
0x1ce: {  	[tilespmem:s4], [sflag:$0x1] =	stream.indirect_vreg.gather [hbm4b:s6+s3], $0x80, v3, vm0, $0xb8;
	[tilespmem:$0x18800] =	vst v63  }
0x1cf: {  	v3 =	vld [tilespmem:$0x790];
	_ =	sdelay $0x4  }
0x1d0: {  	v57 =	vshll.u32 v3, $0x2  }
0x1d1: {  	v3 =	vand.u32 $0x7, v3;
	v4 =	vand.u32 $0xFFFFFFE0, v57  }
0x1d2: {  	v3 =	vor.u32 v3, v4  }
0x1d3: {  	v4 =	vperm.xlane v3, v0;
	_ =	sdelay $0x1  }
0x1d4: {  	v4 =	vadd.s32 v1, v4;
	_ =	sdelay $0x1  }
0x1d5: {  	v3 =	vperm.xlane v3, v2;
	_ =	sdelay $0x1  }
0x1d6: {  	s15 =	simm.s32 $0x2800;
	v3 =	vadd.s32 v1, v3  }
0x1d7: {  	[tilespmem:s15], [sflag:$0x1] =	stream.indirect_vreg.gather [hbm4b:s2+s3], $0x80, v4, vm0, $0xb8;
	[tilespmem:$0x18800] =	vst v63  }
0x1d8: {  	s17 =	simm.s32 $0x3000  }
0x1d9: {  	[tilespmem:s17], [sflag:$0x1] =	stream.indirect_vreg.gather [hbm4b:s6+s3], $0x80, v4, vm0, $0xb8;
	[tilespmem:$0x18800] =	vst v63  }
0x1da: {  	s20 =	simm.s32 $0x3800  }
0x1db: {  	[tilespmem:s20], [sflag:$0x1] =	stream.indirect_vreg.gather [hbm4b:s2+s3], $0x80, v3, vm0, $0xb8;
	[tilespmem:$0x18800] =	vst v63  }
0x1dc: {  	s21 =	simm.s32 $0x4000  }
0x1dd: {  	[tilespmem:s21], [sflag:$0x1] =	stream.indirect_vreg.gather [hbm4b:s6+s3], $0x80, v3, vm0, $0xb8;
	[tilespmem:$0x18800] =	vst v63  }
0x1de: {  	_ =	swait.ge [sflag:s1], $0x4000  }
0x1df: {  	[sflag:s1] =	ssyncset.done $0x0  }
0x1e0: {  	s17 =	simm.s32 $0x4800;
	s22 =	rddreg [dreg:$0x8];
	[sflag:s1] =	ssyncadd.s32 $0xFFFFC000  }
0x1e1: {  	[hbm4b:s22+s3] =	stream.linear.scatter [tilespmem:s17], [sflag:$0x8], $0x4000, $0x38;
	[tilespmem:$0x18800] =	vst v63  }
0x1e2: {  	_ =	swait.ge [sflag:s11], $0x4000  }
0x1e3: {  	[sflag:s11] =	ssyncset.done $0x0  }
0x1e4: {  	[sflag:s11] =	ssyncadd.s32 $0xFFFFC000  }
0x1e5: {  	v3 =	vld [tilespmem:$0x7A0];
	_ =	sdelay $0x4  }
0x1e6: {  	v58 =	vshll.u32 v3, $0x2  }
0x1e7: {  	v3 =	vand.u32 $0x7, v3;
	v4 =	vand.u32 $0xFFFFFFE0, v58  }
0x1e8: {  	v3 =	vor.u32 v3, v4  }
0x1e9: {  	v4 =	vperm.xlane v3, v0;
	_ =	sdelay $0x1  }
0x1ea: {  	v4 =	vadd.s32 v1, v4;
	_ =	sdelay $0x1  }
0x1eb: {  	v3 =	vperm.xlane v3, v2;
	_ =	sdelay $0x1  }
0x1ec: {  	v3 =	vadd.s32 v1, v3  }
0x1ed: {  	[tilespmem:s17], [sflag:$0x2] =	stream.indirect_vreg.gather [hbm4b:s2+s3], $0x80, v4, vm0, $0xb8;
	[tilespmem:$0x18800] =	vst v63  }
0x1ee: {  	s23 =	simm.s32 $0x5000  }
0x1ef: {  	[tilespmem:s23], [sflag:$0x2] =	stream.indirect_vreg.gather [hbm4b:s6+s3], $0x80, v4, vm0, $0xb8;
	[tilespmem:$0x18800] =	vst v63  }
0x1f0: {  	s24 =	simm.s32 $0x5800  }
0x1f1: {  	[tilespmem:s24], [sflag:$0x2] =	stream.indirect_vreg.gather [hbm4b:s2+s3], $0x80, v3, vm0, $0xb8;
	[tilespmem:$0x18800] =	vst v63  }
0x1f2: {  	s4 =	simm.s32 $0x6000  }
0x1f3: {  	[tilespmem:s4], [sflag:$0x2] =	stream.indirect_vreg.gather [hbm4b:s6+s3], $0x80, v3, vm0, $0xb8;
	[tilespmem:$0x18800] =	vst v63  }
0x1f4: {  	v3 =	vld [tilespmem:$0x7B0];
	_ =	sdelay $0x4  }
0x1f5: {  	v59 =	vshll.u32 v3, $0x2  }
0x1f6: {  	v3 =	vand.u32 $0x7, v3;
	v4 =	vand.u32 $0xFFFFFFE0, v59  }
0x1f7: {  	v3 =	vor.u32 v3, v4  }
0x1f8: {  	v4 =	vperm.xlane v3, v0;
	_ =	sdelay $0x1  }
0x1f9: {  	v4 =	vadd.s32 v1, v4;
	_ =	sdelay $0x1  }
0x1fa: {  	v3 =	vperm.xlane v3, v2;
	_ =	sdelay $0x1  }
0x1fb: {  	s15 =	simm.s32 $0x6800;
	v3 =	vadd.s32 v1, v3  }
0x1fc: {  	[tilespmem:s15], [sflag:$0x2] =	stream.indirect_vreg.gather [hbm4b:s2+s3], $0x80, v4, vm0, $0xb8;
	[tilespmem:$0x18800] =	vst v63  }
0x1fd: {  	s20 =	simm.s32 $0x7000  }
0x1fe: {  	[tilespmem:s20], [sflag:$0x2] =	stream.indirect_vreg.gather [hbm4b:s6+s3], $0x80, v4, vm0, $0xb8;
	[tilespmem:$0x18800] =	vst v63  }
0x1ff: {  	s21 =	simm.s32 $0x7800  }
0x200: {  	[tilespmem:s21], [sflag:$0x2] =	stream.indirect_vreg.gather [hbm4b:s2+s3], $0x80, v3, vm0, $0xb8;
	[tilespmem:$0x18800] =	vst v63  }
0x201: {  	s22 =	simm.s32 $0x8000  }
0x202: {  	[tilespmem:s22], [sflag:$0x2] =	stream.indirect_vreg.gather [hbm4b:s6+s3], $0x80, v3, vm0, $0xb8;
	[tilespmem:$0x18800] =	vst v63  }
0x203: {  	_ =	swait.ge [sflag:s19], $0x4000  }
0x204: {  	[sflag:s19] =	ssyncset.done $0x0  }
0x205: {  	s20 =	simm.s32 $0x8800;
	s23 =	rddreg [dreg:$0x9];
	[sflag:s19] =	ssyncadd.s32 $0xFFFFC000  }
0x206: {  	[hbm4b:s23+s3] =	stream.linear.scatter [tilespmem:s20], [sflag:$0x9], $0x4000, $0x38;
	[tilespmem:$0x18800] =	vst v63  }
0x207: {  	_ =	swait.ge [sflag:s12], $0x4000  }
0x208: {  	[sflag:s12] =	ssyncset.done $0x0  }
0x209: {  	[sflag:s12] =	ssyncadd.s32 $0xFFFFC000  }
0x20a: {  	v3 =	vld [tilespmem:$0x7C0];
	_ =	sdelay $0x4  }
0x20b: {  	v60 =	vshll.u32 v3, $0x2  }
0x20c: {  	v3 =	vand.u32 $0x7, v3;
	v4 =	vand.u32 $0xFFFFFFE0, v60  }
0x20d: {  	v3 =	vor.u32 v3, v4  }
0x20e: {  	v4 =	vperm.xlane v3, v0;
	_ =	sdelay $0x1  }
0x20f: {  	v4 =	vadd.s32 v1, v4;
	_ =	sdelay $0x1  }
0x210: {  	v3 =	vperm.xlane v3, v2;
	_ =	sdelay $0x1  }
0x211: {  	v3 =	vadd.s32 v1, v3  }
0x212: {  	[tilespmem:s20], [sflag:$0x3] =	stream.indirect_vreg.gather [hbm4b:s2+s3], $0x80, v4, vm0, $0xb8;
	[tilespmem:$0x18800] =	vst v63  }
0x213: {  	s24 =	simm.s32 $0x9000  }
0x214: {  	[tilespmem:s24], [sflag:$0x3] =	stream.indirect_vreg.gather [hbm4b:s6+s3], $0x80, v4, vm0, $0xb8;
	[tilespmem:$0x18800] =	vst v63  }
0x215: {  	s4 =	simm.s32 $0x9800  }
0x216: {  	[tilespmem:s4], [sflag:$0x3] =	stream.indirect_vreg.gather [hbm4b:s2+s3], $0x80, v3, vm0, $0xb8;
	[tilespmem:$0x18800] =	vst v63  }
0x217: {  	s15 =	simm.s32 $0xA000  }
0x218: {  	[tilespmem:s15], [sflag:$0x3] =	stream.indirect_vreg.gather [hbm4b:s6+s3], $0x80, v3, vm0, $0xb8;
	[tilespmem:$0x18800] =	vst v63  }
0x219: {  	v3 =	vld [tilespmem:$0x7D0];
	_ =	sdelay $0x4  }
0x21a: {  	v61 =	vshll.u32 v3, $0x2  }
0x21b: {  	v3 =	vand.u32 $0x7, v3;
	v4 =	vand.u32 $0xFFFFFFE0, v61  }
0x21c: {  	v3 =	vor.u32 v3, v4  }
0x21d: {  	v4 =	vperm.xlane v3, v0;
	_ =	sdelay $0x1  }
0x21e: {  	v4 =	vadd.s32 v1, v4;
	_ =	sdelay $0x1  }
0x21f: {  	v3 =	vperm.xlane v3, v2;
	_ =	sdelay $0x1  }
0x220: {  	s21 =	simm.s32 $0xA800;
	v3 =	vadd.s32 v1, v3  }
0x221: {  	[tilespmem:s21], [sflag:$0x3] =	stream.indirect_vreg.gather [hbm4b:s2+s3], $0x80, v4, vm0, $0xb8;
	[tilespmem:$0x18800] =	vst v63  }
0x222: {  	s22 =	simm.s32 $0xB000  }
0x223: {  	[tilespmem:s22], [sflag:$0x3] =	stream.indirect_vreg.gather [hbm4b:s6+s3], $0x80, v4, vm0, $0xb8;
	[tilespmem:$0x18800] =	vst v63  }
0x224: {  	s23 =	simm.s32 $0xB800  }
0x225: {  	[tilespmem:s23], [sflag:$0x3] =	stream.indirect_vreg.gather [hbm4b:s2+s3], $0x80, v3, vm0, $0xb8;
	[tilespmem:$0x18800] =	vst v63  }
0x226: {  	s24 =	simm.s32 $0xC000  }
0x227: {  	[tilespmem:s24], [sflag:$0x3] =	stream.indirect_vreg.gather [hbm4b:s6+s3], $0x80, v3, vm0, $0xb8;
	[tilespmem:$0x18800] =	vst v63  }
0x228: {  	_ =	swait.ge [sflag:s13], $0x4000  }
0x229: {  	[sflag:s13] =	ssyncset.done $0x0  }
0x22a: {  	s21 =	simm.s32 $0xC800;
	s4 =	rddreg [dreg:$0xa];
	[sflag:s13] =	ssyncadd.s32 $0xFFFFC000  }
0x22b: {  	[hbm4b:s4+s3] =	stream.linear.scatter [tilespmem:s21], [sflag:$0xA], $0x4000, $0x38;
	[tilespmem:$0x18800] =	vst v63  }
0x22c: {  	_ =	swait.ge [sflag:s26], $0x4000  }
0x22d: {  	[sflag:s26] =	ssyncset.done $0x0  }
0x22e: {  	[sflag:s26] =	ssyncadd.s32 $0xFFFFC000  }
0x22f: {  	v3 =	vld [tilespmem:$0x7E0];
	_ =	sdelay $0x4  }
0x230: {  	v62 =	vshll.u32 v3, $0x2  }
0x231: {  	v3 =	vand.u32 $0x7, v3;
	v4 =	vand.u32 $0xFFFFFFE0, v62  }
0x232: {  	v3 =	vor.u32 v3, v4  }
0x233: {  	v4 =	vperm.xlane v3, v0;
	_ =	sdelay $0x1  }
0x234: {  	v4 =	vadd.s32 v1, v4;
	_ =	sdelay $0x1  }
0x235: {  	v3 =	vperm.xlane v3, v2;
	_ =	sdelay $0x1  }
0x236: {  	v3 =	vadd.s32 v1, v3  }
0x237: {  	[tilespmem:s21], [sflag:$0x4] =	stream.indirect_vreg.gather [hbm4b:s2+s3], $0x80, v4, vm0, $0xb8;
	[tilespmem:$0x18800] =	vst v63  }
0x238: {  	s15 =	simm.s32 $0xD000  }
0x239: {  	[tilespmem:s15], [sflag:$0x4] =	stream.indirect_vreg.gather [hbm4b:s6+s3], $0x80, v4, vm0, $0xb8;
	[tilespmem:$0x18800] =	vst v63  }
0x23a: {  	s22 =	simm.s32 $0xD800  }
0x23b: {  	[tilespmem:s22], [sflag:$0x4] =	stream.indirect_vreg.gather [hbm4b:s2+s3], $0x80, v3, vm0, $0xb8;
	[tilespmem:$0x18800] =	vst v63  }
0x23c: {  	s23 =	simm.s32 $0xE000  }
0x23d: {  	[tilespmem:s23], [sflag:$0x4] =	stream.indirect_vreg.gather [hbm4b:s6+s3], $0x80, v3, vm0, $0xb8;
	[tilespmem:$0x18800] =	vst v63  }
0x23e: {  	v3 =	vld [tilespmem:$0x7F0];
	_ =	sdelay $0x4  }
0x23f: {  	v63 =	vshll.u32 v3, $0x2  }
0x240: {  	v3 =	vand.u32 $0x7, v3;
	v4 =	vand.u32 $0xFFFFFFE0, v63  }
0x241: {  	v3 =	vor.u32 v3, v4  }
0x242: {  	v4 =	vperm.xlane v3, v0;
	_ =	sdelay $0x1  }
0x243: {  	v4 =	vadd.s32 v1, v4;
	_ =	sdelay $0x1  }
0x244: {  	v3 =	vperm.xlane v3, v2;
	_ =	sdelay $0x1  }
0x245: {  	s24 =	simm.s32 $0xE800;
	v3 =	vadd.s32 v1, v3  }
0x246: {  	[tilespmem:s24], [sflag:$0x4] =	stream.indirect_vreg.gather [hbm4b:s2+s3], $0x80, v4, vm0, $0xb8;
	[tilespmem:$0x18800] =	vst v63  }
0x247: {  	s4 =	simm.s32 $0xF000  }
0x248: {  	[tilespmem:s4], [sflag:$0x4] =	stream.indirect_vreg.gather [hbm4b:s6+s3], $0x80, v4, vm0, $0xb8;
	[tilespmem:$0x18800] =	vst v63  }
0x249: {  	s15 =	simm.s32 $0xF800  }
0x24a: {  	[tilespmem:s15], [sflag:$0x4] =	stream.indirect_vreg.gather [hbm4b:s2+s3], $0x80, v3, vm0, $0xb8;
	[tilespmem:$0x18800] =	vst v63  }
0x24b: {  	s22 =	simm.s32 $0x10000  }
0x24c: {  	[tilespmem:s22], [sflag:$0x4] =	stream.indirect_vreg.gather [hbm4b:s6+s3], $0x80, v3, vm0, $0xb8;
	[tilespmem:$0x18800] =	vst v63  }
0x24d: {  	_ =	swait.ge [sflag:s14], $0x4000  }
0x24e: {  	[sflag:s14] =	ssyncset.done $0x0  }
0x24f: {  	s23 =	rddreg [dreg:$0xb];
	[sflag:s14] =	ssyncadd.s32 $0xFFFFC000  }
0x250: {  	[hbm4b:s23+s3] =	stream.linear.scatter [tilespmem:s25], [sflag:$0xB], $0x4000, $0x38;
	[tilespmem:$0x18800] =	vst v63  }
0x251: {  	_ =	swait.ge [sflag:s28], $0x4000  }
0x252: {  	[sflag:s28] =	ssyncset.done $0x0  }
0x253: {  	s24 =	rddreg [dreg:$0xc];
	[sflag:s28] =	ssyncadd.s32 $0xFFFFC000  }
0x254: {  	[hbm4b:s24+s3] =	stream.linear.scatter [tilespmem:s7], [sflag:$0xC], $0x4000, $0x38;
	[tilespmem:$0x18800] =	vst v63  }
0x255: {  	_ =	swait.ge [sflag:s0], $0x4000  }
0x256: {  	[sflag:s0] =	ssyncset.done $0x0  }
0x257: {  	s4 =	rddreg [dreg:$0xd];
	[sflag:s0] =	ssyncadd.s32 $0xFFFFC000  }
0x258: {  	[hbm4b:s4+s3] =	stream.linear.scatter [tilespmem:s9], [sflag:$0x7], $0x4000, $0x38;
	[tilespmem:$0x18800] =	vst v63  }
0x259: {  	_ =	swait.ge [sflag:s1], $0x4000  }
0x25a: {  	[sflag:s1] =	ssyncset.done $0x0  }
0x25b: {  	s15 =	rddreg [dreg:$0xe];
	[sflag:s1] =	ssyncadd.s32 $0xFFFFC000  }
0x25c: {  	[hbm4b:s15+s3] =	stream.linear.scatter [tilespmem:s17], [sflag:$0x8], $0x4000, $0x38;
	[tilespmem:$0x18800] =	vst v63  }
0x25d: {  	_ =	swait.ge [sflag:s19], $0x4000  }
0x25e: {  	[sflag:s19] =	ssyncset.done $0x0  }
0x25f: {  	s17 =	rddreg [dreg:$0xf];
	[sflag:s19] =	ssyncadd.s32 $0xFFFFC000  }
0x260: {  	[hbm4b:s17+s3] =	stream.linear.scatter [tilespmem:s20], [sflag:$0x9], $0x4000, $0x38;
	[tilespmem:$0x18800] =	vst v63  }
0x261: {  	_ =	swait.ge [sflag:s13], $0x4000  }
0x262: {  	[sflag:s13] =	ssyncset.done $0x0  }
0x263: {  	s22 =	rddreg [dreg:$0x10];
	[sflag:s13] =	ssyncadd.s32 $0xFFFFC000  }
0x264: {  	[hbm4b:s22+s3] =	stream.linear.scatter [tilespmem:s21], [sflag:$0xA], $0x4000, $0x38;
	[tilespmem:$0x18800] =	vst v63  }
0x265: {  	_ =	swait.ge [sflag:s5], $0x4000  }
0x266: {  	[sflag:s5] =	ssyncset.done $0x0  }
0x267: {  	[sflag:s5] =	ssyncadd.s32 $0xFFFFC000  }
0x268: {  	_ =	swait.ge [sflag:s16], $0x4000  }
0x269: {  	[sflag:s16] =	ssyncset.done $0x0  }
0x26a: {  	[sflag:s16] =	ssyncadd.s32 $0xFFFFC000  }
0x26b: {  	_ =	swait.ge [sflag:s10], $0x4000  }
0x26c: {  	[sflag:s10] =	ssyncset.done $0x0  }
0x26d: {  	[sflag:s10] =	ssyncadd.s32 $0xFFFFC000  }
0x26e: {  	_ =	swait.ge [sflag:s11], $0x4000  }
0x26f: {  	[sflag:s11] =	ssyncset.done $0x0  }
0x270: {  	[sflag:s11] =	ssyncadd.s32 $0xFFFFC000  }
0x271: {  	_ =	swait.ge [sflag:s12], $0x4000  }
0x272: {  	[sflag:s12] =	ssyncset.done $0x0  }
0x273: {  	[sflag:s12] =	ssyncadd.s32 $0xFFFFC000  }
0x274: {  	_ =	swait.ge [sflag:s26], $0x4000  }
0x275: {  	s23 =	rddreg [dreg:$0x12]  }
0x276: {  	s24 =	rddreg [dreg:$0x11];
	s17 =	sadd.s32 $0x1, s23  }
0x277: {  	p0 =	sne.s32 s17, s24  }
.Ltmp1:
0x278: {  	s31 =	simm.s32 $0x800;
	(pc) =	sbr.rel @p0 .LBB2_1-.Ltmp1, $4  }
0x279: {  	s29 =	simm.s32 $0x4800;
	s30 =	simm.s32 $0x11800;
	s4 =	simm.s32 $0x8800  }
0x27a: {  	s9 =	simm.s32 $0x12800;
	s15 =	simm.s32 $0xC800;
	s20 =	simm.s32 $0x15000  }
0x27b: {  	s21 =	simm.s32 $0x12000;
	s22 =	simm.s32 $0x13000;
	[sflag:s26] =	ssyncset.done $0x0  }
0x27c: {  	[sflag:s26] =	ssyncadd.s32 $0xFFFFC000;
	s23 =	simm.s32 $0x13800;
	s24 =	simm.s32 $0x14000  }
0x27d: {  	_ =	sfence.sel $0x180000  }
0x27e: {  	[bflag:$0x0] =	sbarrier.arrive $0xFFFF  }
0x27f: {  	_ =	strace $0x90000047  }
0x280: {  	s0 =	stileid.u32;
	[bflag:$0x2] =	sbarrier.arrive $0xFFFF  }
0x281: {  	p0 =	sne.s32 s0, $0x0;
	s0 =	rddreg [dreg:$0x3]  }
0x282: {  	s0 =	sadd.s32 @!p0 $0x100000, s0  }
0x283: {  	[sflag:s0] =	ssyncadd.tile.s32 @!p0 $0x1;
	_ =	shalt  }
.Lfunc_end2:
_tile_overlayer_lowered:
.L_overlay_start_2:
0x284: {  	(tag) =	ssettag $0x2  }
0x285: {  	s0 =	rddreg [dreg:$0x0];
	s2 =	stileid.u32  }
0x286: {  	s1 =	rddreg [dreg:$0x1];
	p0 =	sne.s32 s2, $0x0  }
0x287: {  	s3 =	rddreg [dreg:$0x2];
	[bflag:$0x3] =	sbarrier.arrive $0xFFFF;
	s2 =	simm.s32 @!p0 $0x1C0E  }
0x288: {  	[timem:s3], [sflag:s2] =	dma.local @!p0 [hbm:s0], s1  }
0x289: {  	s0 =	simm.s32 @!p0 $0xE  }
0x28a: {  	_ =	swait.ge @!p0 [sflag:s0], s1  }
0x28b: {  	s1 =	ssub.s32 @!p0 $0x0, s1;
	[sflag:s0] =	ssyncset.done @!p0 $0x0  }
0x28c: {  	[sflag:s0] =	ssyncadd.s32 @!p0 s1  }
0x28d: {  	[bflag:$0x3] =	sbarrier.arrive $0xFFFF  }
0x28e: {  	_ =	shalt  }

</sc_bundles>
